<compile_context>
chip_gen: v7x
topology: tpu7x:2x2x1
jax: 0.10.2.dev20260603
libtpu: 0.0.44.dev20260713+nightly
codegen_flags: <defaults>
</compile_context>

<pallas_src>
import jax
import jax.numpy as jnp
from jax import lax
from jax.experimental import pallas as pl
from jax.experimental.pallas import tpu as pltpu
from jax.experimental.pallas import tpu_sc as plsc

N = 576
D = 768
LANES = 16
CHUNKS_PER_ROW = D // LANES

S_SC = 128
SC_CORES = 1
NW = SC_CORES * 16
B_PER_W = S_SC // NW
SC_BASE = N - S_SC
N_TC = N - S_SC
assert S_SC % 8 == 0 and B_PER_W % 8 == 0 and SC_BASE % 8 == 0


def _sc_body(x_hbm, tok_hbm, pos_hbm, out_hbm, idx_v, tok_v, pos_v, sem_g, sem_p):
    wid = lax.axis_index("s") * SC_CORES + lax.axis_index("c")
    base = SC_BASE + wid * B_PER_W
    pltpu.sync_copy(x_hbm.at[pl.ds(base, B_PER_W)], idx_v)
    g = pltpu.async_copy(tok_hbm.at[idx_v], tok_v, sem_g)
    p = pltpu.async_copy(pos_hbm.at[pl.ds(base, B_PER_W)], pos_v, sem_p)
    g.wait()
    p.wait()

    def row_body(r, _):
        for j in range(CHUNKS_PER_ROW):
            sl = pl.ds(j * LANES, LANES)
            tok_v[r, sl] += pos_v[r, sl]
        return 0

    lax.fori_loop(0, B_PER_W, row_body, 0)
    pltpu.sync_copy(tok_v, out_hbm.at[pl.ds(wid * B_PER_W, B_PER_W)])


def _sc_embed(x, token_table, pos_table):
    mesh = plsc.VectorSubcoreMesh(
        core_axis_name="c", subcore_axis_name="s", num_cores=SC_CORES
    )
    run = pl.kernel(
        _sc_body,
        out_type=jax.ShapeDtypeStruct((S_SC, D), jnp.float32),
        mesh=mesh,
        scratch_types=[
            pltpu.VMEM((B_PER_W,), jnp.int32),
            pltpu.VMEM((B_PER_W, D), jnp.float32),
            pltpu.VMEM((B_PER_W, D), jnp.float32),
            pltpu.SemaphoreType.DMA,
            pltpu.SemaphoreType.DMA,
        ],
    )
    return run(x, token_table, pos_table)


def _tc_body(x_ref, tok_ref, pos_ref, out_ref):
    x2d = x_ref[...]
    iota = lax.broadcasted_iota(jnp.int32, (N_TC, N), 1)
    oh = (iota == x2d).astype(jnp.float32)
    y = lax.dot_general(
        oh, tok_ref[...], (((1,), (0,)), ((), ())),
        preferred_element_type=jnp.float32,
    )
    out_ref[...] = y + pos_ref[...]


def _tc_embed(x, token_table, pos_table):
    return pl.pallas_call(
        _tc_body,
        out_shape=jax.ShapeDtypeStruct((N_TC, D), jnp.float32),
        grid=(1,),
        in_specs=[
            pl.BlockSpec((N_TC, 1), lambda i: (0, 0)),
            pl.BlockSpec((N, D), lambda i: (0, 0)),
            pl.BlockSpec((N_TC, D), lambda i: (0, 0)),
        ],
        out_specs=pl.BlockSpec((N_TC, D), lambda i: (0, 0)),
    )(x[:N_TC].reshape(N_TC, 1), token_table, pos_table)


def kernel(x, token_table, pos_table):
    sc_out = _sc_embed(x, token_table, pos_table)
    tc_out = _tc_embed(x, token_table, pos_table)
    return jnp.concatenate([tc_out, sc_out], axis=0)

# --- scband reference (transcript-rebuilt; emitter-appended) ---
"""Pipeline reference for scband-token-and-position-embedding-16346645529143 (READ-ONLY COPY).

The authoritative reference and input builder live on the scoring server;
editing this copy changes nothing except your own understanding.
"""

import jax, jax.numpy as jnp
import numpy as np

IMAGE_SIZE = 384
PATCH_SIZE = 16
DIM_MODEL = 768
NUM_CHANNELS = 3
NUM_PATCHES = (IMAGE_SIZE // PATCH_SIZE) ** 2  # 576
PATCH_DIM = NUM_CHANNELS * PATCH_SIZE ** 2     # 768


def setup_inputs(seed: int = 0) -> dict:
    key = jax.random.key(seed)
    k1, k2, k3 = jax.random.split(key, 3)
    x = jax.random.randint(k1, (576,), 0, NUM_PATCHES, dtype=jnp.int64 if jax.config.jax_enable_x64 else jnp.int32).astype(jnp.int32)
    token_table = jax.random.normal(k2, (NUM_PATCHES, DIM_MODEL), dtype=jnp.float32) * 0.05
    pos_table = jax.random.normal(k3, (PATCH_DIM, DIM_MODEL), dtype=jnp.float32) * 0.05
    return {"x": x, "token_table": token_table, "pos_table": pos_table}


def reference(x, token_table, pos_table):
    # call(x): maxlen = shape(x)[0]; positions = range(maxlen)
    maxlen = x.shape[0]
    positions = jnp.arange(0, maxlen, dtype=jnp.int32)
    pos = jnp.take(pos_table, positions, axis=0)          # pos_emb(positions) -> [N, D]
    tok = jnp.take(token_table, x, axis=0)                # token_emb(x) -> [N, D]
    flat = tok.reshape(tok.shape[0], -1)                  # Flatten (keeps leading dim)
    return flat + pos

if __name__ == "__main__":
    import jax
    _d = setup_inputs()
    print(jax.jit(kernel)(*tuple(_d.values())))

</pallas_src>

<mosaic_0001>
#map = affine_map<(d0, d1) -> (0)>
#map1 = affine_map<(d0, d1) -> (0, 0)>
module attributes {stable_mosaic.version = 14 : i64} {
  func.func @_sc_body(%arg0: i32, %arg1: i32, %arg2: memref<576xi32, #tpu.memory_space<hbm>>, %arg3: memref<576x768xf32, #tpu.memory_space<hbm>>, %arg4: memref<768x768xf32, #tpu.memory_space<hbm>>, %arg5: memref<128x768xf32, #tpu.memory_space<hbm>>, %arg6: memref<8xi32, #tpu.memory_space<vmem>>, %arg7: memref<8x768xf32, #tpu.memory_space<vmem>>, %arg8: memref<8x768xf32, #tpu.memory_space<vmem>>, %arg9: memref<!tpu.dma_semaphore, #tpu.memory_space<semaphore_mem>>, %arg10: memref<!tpu.dma_semaphore, #tpu.memory_space<semaphore_mem>>) attributes {dimension_semantics = [#tpu.dimension_semantics<core_parallel>, #tpu.dimension_semantics<subcore_parallel>], iteration_bounds = array<i64: 1, 16>, scalar_prefetch = 0 : i64, scratch_operands = 5 : i64, tpu.core_type = #tpu.core_type<sc_vector_subcore>, window_params = [{transform_indices = #map}, {transform_indices = #map1}, {transform_indices = #map1}, {transform_indices = #map1}]} {
    %mul3A = arith.constant 1 : i32
    %mul3A_0 = arith.muli %arg1, %mul3A : i32
    %add3A = arith.addi %mul3A_0, %arg0 : i32
    %mul3A_1 = arith.constant 8 : i32
    %mul3A_2 = arith.muli %add3A, %mul3A_1 : i32
    %add3A_3 = arith.constant 448 : i32
    %add3A_4 = arith.addi %add3A_3, %mul3A_2 : i32
    "tpu.region"() ({
      %run_scoped3A = tpu.sem_alloc : memref<!tpu.dma_semaphore, #tpu.memory_space<semaphore_mem>>
      %dma_start3A_25 = tpu.memref_slice %arg2[%add3A_4] : memref<576xi32, #tpu.memory_space<hbm>> -> memref<8xi32, #tpu.memory_space<hbm>>
      %dma_start3A_26 = tpu.memref_slice %arg2[%add3A_4] : memref<576xi32, #tpu.memory_space<hbm>> -> memref<8xi32, #tpu.memory_space<hbm>>
      tpu.enqueue_dma source(%dma_start3A_26 : memref<8xi32, #tpu.memory_space<hbm>>) target(%arg6 : memref<8xi32, #tpu.memory_space<vmem>>) target_semaphore(%run_scoped3A : memref<!tpu.dma_semaphore, #tpu.memory_space<semaphore_mem>>)
      %dma_wait3A_27 = tpu.memref_slice %arg2[%add3A_4] : memref<576xi32, #tpu.memory_space<hbm>> -> memref<8xi32, #tpu.memory_space<hbm>>
      %dma_wait3A_28 = tpu.memref_slice %arg2[%add3A_4] : memref<576xi32, #tpu.memory_space<hbm>> -> memref<8xi32, #tpu.memory_space<hbm>>
      tpu.wait_dma2 semaphore(%run_scoped3A : memref<!tpu.dma_semaphore, #tpu.memory_space<semaphore_mem>>) src(%dma_wait3A_28 : memref<8xi32, #tpu.memory_space<hbm>>) dst(%arg6 : memref<8xi32, #tpu.memory_space<vmem>>)
      tpu.yield
    }) : () -> ()
    %dma_start3A = arith.constant 0 : i32
    %dma_start3A_5 = arith.constant 0 : i32
    %dma_start3A_6 = tpu.memref_slice %arg3[%dma_start3A, %dma_start3A_5] : memref<576x768xf32, #tpu.memory_space<hbm>> -> memref<576x768xf32, #tpu.memory_space<hbm>>
    tpu.enqueue_indirect_dma source(%dma_start3A_6 : memref<576x768xf32, #tpu.memory_space<hbm>>) target(%arg7 : memref<8x768xf32, #tpu.memory_space<vmem>>) offsets(%arg6 : memref<8xi32, #tpu.memory_space<vmem>>) semaphore(%arg9 : memref<!tpu.dma_semaphore, #tpu.memory_space<semaphore_mem>>)
    %dma_start3A_7 = arith.constant 0 : i32
    %dma_start3A_8 = tpu.memref_slice %arg4[%add3A_4, %dma_start3A_7] : memref<768x768xf32, #tpu.memory_space<hbm>> -> memref<8x768xf32, #tpu.memory_space<hbm>>
    %dma_start3A_9 = arith.constant 0 : i32
    %dma_start3A_10 = tpu.memref_slice %arg4[%add3A_4, %dma_start3A_9] : memref<768x768xf32, #tpu.memory_space<hbm>> -> memref<8x768xf32, #tpu.memory_space<hbm>>
    tpu.enqueue_dma source(%dma_start3A_10 : memref<8x768xf32, #tpu.memory_space<hbm>>) target(%arg8 : memref<8x768xf32, #tpu.memory_space<vmem>>) target_semaphore(%arg10 : memref<!tpu.dma_semaphore, #tpu.memory_space<semaphore_mem>>)
    %dma_wait3A = arith.constant 0 : i32
    %dma_wait3A_11 = arith.constant 0 : i32
    %dma_wait3A_12 = tpu.memref_slice %arg3[%dma_wait3A, %dma_wait3A_11] : memref<576x768xf32, #tpu.memory_space<hbm>> -> memref<576x768xf32, #tpu.memory_space<hbm>>
    tpu.wait_indirect_dma semaphore(%arg9 : memref<!tpu.dma_semaphore, #tpu.memory_space<semaphore_mem>>) src(%dma_wait3A_12 : memref<576x768xf32, #tpu.memory_space<hbm>>) dst(%arg7 : memref<8x768xf32, #tpu.memory_space<vmem>>)
    %dma_wait3A_13 = arith.constant 0 : i32
    %dma_wait3A_14 = tpu.memref_slice %arg4[%add3A_4, %dma_wait3A_13] : memref<768x768xf32, #tpu.memory_space<hbm>> -> memref<8x768xf32, #tpu.memory_space<hbm>>
    %dma_wait3A_15 = arith.constant 0 : i32
    %dma_wait3A_16 = tpu.memref_slice %arg4[%add3A_4, %dma_wait3A_15] : memref<768x768xf32, #tpu.memory_space<hbm>> -> memref<8x768xf32, #tpu.memory_space<hbm>>
    tpu.wait_dma2 semaphore(%arg10 : memref<!tpu.dma_semaphore, #tpu.memory_space<semaphore_mem>>) src(%dma_wait3A_16 : memref<8x768xf32, #tpu.memory_space<hbm>>) dst(%arg8 : memref<8x768xf32, #tpu.memory_space<vmem>>)
    %scan3A = arith.constant 0 : i32
    %scan3A_17 = arith.constant 0 : i32
    %scan3A_18 = arith.constant 8 : i32
    %scan3A_19 = arith.addi %scan3A_17, %scan3A_18 : i32
    %scan3A_20 = arith.constant 1 : i32
    %scan3A_21 = scf.for %scan3A_25 = %scan3A_17 to %scan3A_19 step %scan3A_20 iter_args(%scan3A_26 = %scan3A) -> (i32)  : i32 {
      %get3A = arith.index_cast %scan3A_25 : i32 to index
      %get3A_27 = arith.constant 0 : index
      %get3A_28 = tpu.vector_load %arg7[%get3A, %get3A_27] {strides = array<i32>} : memref<8x768xf32, #tpu.memory_space<vmem>>, vector<1x16xf32>,
      %get3A_29 = vector.shape_cast %get3A_28 : vector<1x16xf32> to vector<16xf32>
      %get3A_30 = arith.index_cast %scan3A_25 : i32 to index
      %get3A_31 = arith.constant 0 : index
      %get3A_32 = tpu.vector_load %arg8[%get3A_30, %get3A_31] {strides = array<i32>} : memref<8x768xf32, #tpu.memory_space<vmem>>, vector<1x16xf32>,
      %get3A_33 = vector.shape_cast %get3A_32 : vector<1x16xf32> to vector<16xf32>
      %add3A_34 = arith.addf %get3A_29, %get3A_33 : vector<16xf32>
      %swap3A = arith.index_cast %scan3A_25 : i32 to index
      %swap3A_35 = arith.constant 0 : index
      %swap3A_36 = tpu.vector_load %arg7[%swap3A, %swap3A_35] {strides = array<i32>} : memref<8x768xf32, #tpu.memory_space<vmem>>, vector<1x16xf32>,
      %swap3A_37 = vector.shape_cast %swap3A_36 : vector<1x16xf32> to vector<16xf32>
      %swap3A_38 = vector.shape_cast %add3A_34 : vector<16xf32> to vector<1x16xf32>
      tpu.vector_store %arg7[%swap3A, %swap3A_35], %swap3A_38 {strides = array<i32>} : memref<8x768xf32, #tpu.memory_space<vmem>>, vector<1x16xf32>,
      %get3A_39 = arith.index_cast %scan3A_25 : i32 to index
      %get3A_40 = arith.constant 16 : index
      %get3A_41 = tpu.vector_load %arg7[%get3A_39, %get3A_40] {strides = array<i32>} : memref<8x768xf32, #tpu.memory_space<vmem>>, vector<1x16xf32>,
      %get3A_42 = vector.shape_cast %get3A_41 : vector<1x16xf32> to vector<16xf32>
      %get3A_43 = arith.index_cast %scan3A_25 : i32 to index
      %get3A_44 = arith.constant 16 : index
      %get3A_45 = tpu.vector_load %arg8[%get3A_43, %get3A_44] {strides = array<i32>} : memref<8x768xf32, #tpu.memory_space<vmem>>, vector<1x16xf32>,
      %get3A_46 = vector.shape_cast %get3A_45 : vector<1x16xf32> to vector<16xf32>
      %add3A_47 = arith.addf %get3A_42, %get3A_46 : vector<16xf32>
      %swap3A_48 = arith.index_cast %scan3A_25 : i32 to index
      %swap3A_49 = arith.constant 16 : index
      %swap3A_50 = tpu.vector_load %arg7[%swap3A_48, %swap3A_49] {strides = array<i32>} : memref<8x768xf32, #tpu.memory_space<vmem>>, vector<1x16xf32>,
      %swap3A_51 = vector.shape_cast %swap3A_50 : vector<1x16xf32> to vector<16xf32>
      %swap3A_52 = vector.shape_cast %add3A_47 : vector<16xf32> to vector<1x16xf32>
      tpu.vector_store %arg7[%swap3A_48, %swap3A_49], %swap3A_52 {strides = array<i32>} : memref<8x768xf32, #tpu.memory_space<vmem>>, vector<1x16xf32>,
      %get3A_53 = arith.index_cast %scan3A_25 : i32 to index
      %get3A_54 = arith.constant 32 : index
      %get3A_55 = tpu.vector_load %arg7[%get3A_53, %get3A_54] {strides = array<i32>} : memref<8x768xf32, #tpu.memory_space<vmem>>, vector<1x16xf32>,
      %get3A_56 = vector.shape_cast %get3A_55 : vector<1x16xf32> to vector<16xf32>
      %get3A_57 = arith.index_cast %scan3A_25 : i32 to index
      %get3A_58 = arith.constant 32 : index
      %get3A_59 = tpu.vector_load %arg8[%get3A_57, %get3A_58] {strides = array<i32>} : memref<8x768xf32, #tpu.memory_space<vmem>>, vector<1x16xf32>,
      %get3A_60 = vector.shape_cast %get3A_59 : vector<1x16xf32> to vector<16xf32>
      %add3A_61 = arith.addf %get3A_56, %get3A_60 : vector<16xf32>
      %swap3A_62 = arith.index_cast %scan3A_25 : i32 to index
      %swap3A_63 = arith.constant 32 : index
      %swap3A_64 = tpu.vector_load %arg7[%swap3A_62, %swap3A_63] {strides = array<i32>} : memref<8x768xf32, #tpu.memory_space<vmem>>, vector<1x16xf32>,
      %swap3A_65 = vector.shape_cast %swap3A_64 : vector<1x16xf32> to vector<16xf32>
      %swap3A_66 = vector.shape_cast %add3A_61 : vector<16xf32> to vector<1x16xf32>
      tpu.vector_store %arg7[%swap3A_62, %swap3A_63], %swap3A_66 {strides = array<i32>} : memref<8x768xf32, #tpu.memory_space<vmem>>, vector<1x16xf32>,
      %get3A_67 = arith.index_cast %scan3A_25 : i32 to index
      %get3A_68 = arith.constant 48 : index
      %get3A_69 = tpu.vector_load %arg7[%get3A_67, %get3A_68] {strides = array<i32>} : memref<8x768xf32, #tpu.memory_space<vmem>>, vector<1x16xf32>,
      %get3A_70 = vector.shape_cast %get3A_69 : vector<1x16xf32> to vector<16xf32>
      %get3A_71 = arith.index_cast %scan3A_25 : i32 to index
      %get3A_72 = arith.constant 48 : index
      %get3A_73 = tpu.vector_load %arg8[%get3A_71, %get3A_72] {strides = array<i32>} : memref<8x768xf32, #tpu.memory_space<vmem>>, vector<1x16xf32>,
      %get3A_74 = vector.shape_cast %get3A_73 : vector<1x16xf32> to vector<16xf32>
      %add3A_75 = arith.addf %get3A_70, %get3A_74 : vector<16xf32>
      %swap3A_76 = arith.index_cast %scan3A_25 : i32 to index
      %swap3A_77 = arith.constant 48 : index
      %swap3A_78 = tpu.vector_load %arg7[%swap3A_76, %swap3A_77] {strides = array<i32>} : memref<8x768xf32, #tpu.memory_space<vmem>>, vector<1x16xf32>,
      %swap3A_79 = vector.shape_cast %swap3A_78 : vector<1x16xf32> to vector<16xf32>
      %swap3A_80 = vector.shape_cast %add3A_75 : vector<16xf32> to vector<1x16xf32>
      tpu.vector_store %arg7[%swap3A_76, %swap3A_77], %swap3A_80 {strides = array<i32>} : memref<8x768xf32, #tpu.memory_space<vmem>>, vector<1x16xf32>,
      %get3A_81 = arith.index_cast %scan3A_25 : i32 to index
      %get3A_82 = arith.constant 64 : index
      %get3A_83 = tpu.vector_load %arg7[%get3A_81, %get3A_82] {strides = array<i32>} : memref<8x768xf32, #tpu.memory_space<vmem>>, vector<1x16xf32>,
      %get3A_84 = vector.shape_cast %get3A_83 : vector<1x16xf32> to vector<16xf32>
      %get3A_85 = arith.index_cast %scan3A_25 : i32 to index
      %get3A_86 = arith.constant 64 : index
      %get3A_87 = tpu.vector_load %arg8[%get3A_85, %get3A_86] {strides = array<i32>} : memref<8x768xf32, #tpu.memory_space<vmem>>, vector<1x16xf32>,
      %get3A_88 = vector.shape_cast %get3A_87 : vector<1x16xf32> to vector<16xf32>
      %add3A_89 = arith.addf %get3A_84, %get3A_88 : vector<16xf32>
      %swap3A_90 = arith.index_cast %scan3A_25 : i32 to index
      %swap3A_91 = arith.constant 64 : index
      %swap3A_92 = tpu.vector_load %arg7[%swap3A_90, %swap3A_91] {strides = array<i32>} : memref<8x768xf32, #tpu.memory_space<vmem>>, vector<1x16xf32>,
      %swap3A_93 = vector.shape_cast %swap3A_92 : vector<1x16xf32> to vector<16xf32>
      %swap3A_94 = vector.shape_cast %add3A_89 : vector<16xf32> to vector<1x16xf32>
      tpu.vector_store %arg7[%swap3A_90, %swap3A_91], %swap3A_94 {strides = array<i32>} : memref<8x768xf32, #tpu.memory_space<vmem>>, vector<1x16xf32>,
      %get3A_95 = arith.index_cast %scan3A_25 : i32 to index
      %get3A_96 = arith.constant 80 : index
      %get3A_97 = tpu.vector_load %arg7[%get3A_95, %get3A_96] {strides = array<i32>} : memref<8x768xf32, #tpu.memory_space<vmem>>, vector<1x16xf32>,
      %get3A_98 = vector.shape_cast %get3A_97 : vector<1x16xf32> to vector<16xf32>
      %get3A_99 = arith.index_cast %scan3A_25 : i32 to index
      %get3A_100 = arith.constant 80 : index
      %get3A_101 = tpu.vector_load %arg8[%get3A_99, %get3A_100] {strides = array<i32>} : memref<8x768xf32, #tpu.memory_space<vmem>>, vector<1x16xf32>,
      %get3A_102 = vector.shape_cast %get3A_101 : vector<1x16xf32> to vector<16xf32>
      %add3A_103 = arith.addf %get3A_98, %get3A_102 : vector<16xf32>
      %swap3A_104 = arith.index_cast %scan3A_25 : i32 to index
      %swap3A_105 = arith.constant 80 : index
      %swap3A_106 = tpu.vector_load %arg7[%swap3A_104, %swap3A_105] {strides = array<i32>} : memref<8x768xf32, #tpu.memory_space<vmem>>, vector<1x16xf32>,
      %swap3A_107 = vector.shape_cast %swap3A_106 : vector<1x16xf32> to vector<16xf32>
      %swap3A_108 = vector.shape_cast %add3A_103 : vector<16xf32> to vector<1x16xf32>
      tpu.vector_store %arg7[%swap3A_104, %swap3A_105], %swap3A_108 {strides = array<i32>} : memref<8x768xf32, #tpu.memory_space<vmem>>, vector<1x16xf32>,
      %get3A_109 = arith.index_cast %scan3A_25 : i32 to index
      %get3A_110 = arith.constant 96 : index
      %get3A_111 = tpu.vector_load %arg7[%get3A_109, %get3A_110] {strides = array<i32>} : memref<8x768xf32, #tpu.memory_space<vmem>>, vector<1x16xf32>,
      %get3A_112 = vector.shape_cast %get3A_111 : vector<1x16xf32> to vector<16xf32>
      %get3A_113 = arith.index_cast %scan3A_25 : i32 to index
      %get3A_114 = arith.constant 96 : index
      %get3A_115 = tpu.vector_load %arg8[%get3A_113, %get3A_114] {strides = array<i32>} : memref<8x768xf32, #tpu.memory_space<vmem>>, vector<1x16xf32>,
      %get3A_116 = vector.shape_cast %get3A_115 : vector<1x16xf32> to vector<16xf32>
      %add3A_117 = arith.addf %get3A_112, %get3A_116 : vector<16xf32>
      %swap3A_118 = arith.index_cast %scan3A_25 : i32 to index
      %swap3A_119 = arith.constant 96 : index
      %swap3A_120 = tpu.vector_load %arg7[%swap3A_118, %swap3A_119] {strides = array<i32>} : memref<8x768xf32, #tpu.memory_space<vmem>>, vector<1x16xf32>,
      %swap3A_121 = vector.shape_cast %swap3A_120 : vector<1x16xf32> to vector<16xf32>
      %swap3A_122 = vector.shape_cast %add3A_117 : vector<16xf32> to vector<1x16xf32>
      tpu.vector_store %arg7[%swap3A_118, %swap3A_119], %swap3A_122 {strides = array<i32>} : memref<8x768xf32, #tpu.memory_space<vmem>>, vector<1x16xf32>,
      %get3A_123 = arith.index_cast %scan3A_25 : i32 to index
      %get3A_124 = arith.constant 112 : index
      %get3A_125 = tpu.vector_load %arg7[%get3A_123, %get3A_124] {strides = array<i32>} : memref<8x768xf32, #tpu.memory_space<vmem>>, vector<1x16xf32>,
      %get3A_126 = vector.shape_cast %get3A_125 : vector<1x16xf32> to vector<16xf32>
      %get3A_127 = arith.index_cast %scan3A_25 : i32 to index
      %get3A_128 = arith.constant 112 : index
      %get3A_129 = tpu.vector_load %arg8[%get3A_127, %get3A_128] {strides = array<i32>} : memref<8x768xf32, #tpu.memory_space<vmem>>, vector<1x16xf32>,
      %get3A_130 = vector.shape_cast %get3A_129 : vector<1x16xf32> to vector<16xf32>
      %add3A_131 = arith.addf %get3A_126, %get3A_130 : vector<16xf32>
      %swap3A_132 = arith.index_cast %scan3A_25 : i32 to index
      %swap3A_133 = arith.constant 112 : index
      %swap3A_134 = tpu.vector_load %arg7[%swap3A_132, %swap3A_133] {strides = array<i32>} : memref<8x768xf32, #tpu.memory_space<vmem>>, vector<1x16xf32>,
      %swap3A_135 = vector.shape_cast %swap3A_134 : vector<1x16xf32> to vector<16xf32>
      %swap3A_136 = vector.shape_cast %add3A_131 : vector<16xf32> to vector<1x16xf32>
      tpu.vector_store %arg7[%swap3A_132, %swap3A_133], %swap3A_136 {strides = array<i32>} : memref<8x768xf32, #tpu.memory_space<vmem>>, vector<1x16xf32>,
      %get3A_137 = arith.index_cast %scan3A_25 : i32 to index
      %get3A_138 = arith.constant 128 : index
      %get3A_139 = tpu.vector_load %arg7[%get3A_137, %get3A_138] {strides = array<i32>} : memref<8x768xf32, #tpu.memory_space<vmem>>, vector<1x16xf32>,
      %get3A_140 = vector.shape_cast %get3A_139 : vector<1x16xf32> to vector<16xf32>
      %get3A_141 = arith.index_cast %scan3A_25 : i32 to index
      %get3A_142 = arith.constant 128 : index
      %get3A_143 = tpu.vector_load %arg8[%get3A_141, %get3A_142] {strides = array<i32>} : memref<8x768xf32, #tpu.memory_space<vmem>>, vector<1x16xf32>,
      %get3A_144 = vector.shape_cast %get3A_143 : vector<1x16xf32> to vector<16xf32>
      %add3A_145 = arith.addf %get3A_140, %get3A_144 : vector<16xf32>
      %swap3A_146 = arith.index_cast %scan3A_25 : i32 to index
      %swap3A_147 = arith.constant 128 : index
      %swap3A_148 = tpu.vector_load %arg7[%swap3A_146, %swap3A_147] {strides = array<i32>} : memref<8x768xf32, #tpu.memory_space<vmem>>, vector<1x16xf32>,
      %swap3A_149 = vector.shape_cast %swap3A_148 : vector<1x16xf32> to vector<16xf32>
      %swap3A_150 = vector.shape_cast %add3A_145 : vector<16xf32> to vector<1x16xf32>
      tpu.vector_store %arg7[%swap3A_146, %swap3A_147], %swap3A_150 {strides = array<i32>} : memref<8x768xf32, #tpu.memory_space<vmem>>, vector<1x16xf32>,
      %get3A_151 = arith.index_cast %scan3A_25 : i32 to index
      %get3A_152 = arith.constant 144 : index
      %get3A_153 = tpu.vector_load %arg7[%get3A_151, %get3A_152] {strides = array<i32>} : memref<8x768xf32, #tpu.memory_space<vmem>>, vector<1x16xf32>,
      %get3A_154 = vector.shape_cast %get3A_153 : vector<1x16xf32> to vector<16xf32>
      %get3A_155 = arith.index_cast %scan3A_25 : i32 to index
      %get3A_156 = arith.constant 144 : index
      %get3A_157 = tpu.vector_load %arg8[%get3A_155, %get3A_156] {strides = array<i32>} : memref<8x768xf32, #tpu.memory_space<vmem>>, vector<1x16xf32>,
      %get3A_158 = vector.shape_cast %get3A_157 : vector<1x16xf32> to vector<16xf32>
      %add3A_159 = arith.addf %get3A_154, %get3A_158 : vector<16xf32>
      %swap3A_160 = arith.index_cast %scan3A_25 : i32 to index
      %swap3A_161 = arith.constant 144 : index
      %swap3A_162 = tpu.vector_load %arg7[%swap3A_160, %swap3A_161] {strides = array<i32>} : memref<8x768xf32, #tpu.memory_space<vmem>>, vector<1x16xf32>,
      %swap3A_163 = vector.shape_cast %swap3A_162 : vector<1x16xf32> to vector<16xf32>
      %swap3A_164 = vector.shape_cast %add3A_159 : vector<16xf32> to vector<1x16xf32>
      tpu.vector_store %arg7[%swap3A_160, %swap3A_161], %swap3A_164 {strides = array<i32>} : memref<8x768xf32, #tpu.memory_space<vmem>>, vector<1x16xf32>,
      %get3A_165 = arith.index_cast %scan3A_25 : i32 to index
      %get3A_166 = arith.constant 160 : index
      %get3A_167 = tpu.vector_load %arg7[%get3A_165, %get3A_166] {strides = array<i32>} : memref<8x768xf32, #tpu.memory_space<vmem>>, vector<1x16xf32>,
      %get3A_168 = vector.shape_cast %get3A_167 : vector<1x16xf32> to vector<16xf32>
      %get3A_169 = arith.index_cast %scan3A_25 : i32 to index
      %get3A_170 = arith.constant 160 : index
      %get3A_171 = tpu.vector_load %arg8[%get3A_169, %get3A_170] {strides = array<i32>} : memref<8x768xf32, #tpu.memory_space<vmem>>, vector<1x16xf32>,
      %get3A_172 = vector.shape_cast %get3A_171 : vector<1x16xf32> to vector<16xf32>
      %add3A_173 = arith.addf %get3A_168, %get3A_172 : vector<16xf32>
      %swap3A_174 = arith.index_cast %scan3A_25 : i32 to index
      %swap3A_175 = arith.constant 160 : index
      %swap3A_176 = tpu.vector_load %arg7[%swap3A_174, %swap3A_175] {strides = array<i32>} : memref<8x768xf32, #tpu.memory_space<vmem>>, vector<1x16xf32>,
      %swap3A_177 = vector.shape_cast %swap3A_176 : vector<1x16xf32> to vector<16xf32>
      %swap3A_178 = vector.shape_cast %add3A_173 : vector<16xf32> to vector<1x16xf32>
      tpu.vector_store %arg7[%swap3A_174, %swap3A_175], %swap3A_178 {strides = array<i32>} : memref<8x768xf32, #tpu.memory_space<vmem>>, vector<1x16xf32>,
      %get3A_179 = arith.index_cast %scan3A_25 : i32 to index
      %get3A_180 = arith.constant 176 : index
      %get3A_181 = tpu.vector_load %arg7[%get3A_179, %get3A_180] {strides = array<i32>} : memref<8x768xf32, #tpu.memory_space<vmem>>, vector<1x16xf32>,
      %get3A_182 = vector.shape_cast %get3A_181 : vector<1x16xf32> to vector<16xf32>
      %get3A_183 = arith.index_cast %scan3A_25 : i32 to index
      %get3A_184 = arith.constant 176 : index
      %get3A_185 = tpu.vector_load %arg8[%get3A_183, %get3A_184] {strides = array<i32>} : memref<8x768xf32, #tpu.memory_space<vmem>>, vector<1x16xf32>,
      %get3A_186 = vector.shape_cast %get3A_185 : vector<1x16xf32> to vector<16xf32>
      %add3A_187 = arith.addf %get3A_182, %get3A_186 : vector<16xf32>
      %swap3A_188 = arith.index_cast %scan3A_25 : i32 to index
      %swap3A_189 = arith.constant 176 : index
      %swap3A_190 = tpu.vector_load %arg7[%swap3A_188, %swap3A_189] {strides = array<i32>} : memref<8x768xf32, #tpu.memory_space<vmem>>, vector<1x16xf32>,
      %swap3A_191 = vector.shape_cast %swap3A_190 : vector<1x16xf32> to vector<16xf32>
      %swap3A_192 = vector.shape_cast %add3A_187 : vector<16xf32> to vector<1x16xf32>
      tpu.vector_store %arg7[%swap3A_188, %swap3A_189], %swap3A_192 {strides = array<i32>} : memref<8x768xf32, #tpu.memory_space<vmem>>, vector<1x16xf32>,
      %get3A_193 = arith.index_cast %scan3A_25 : i32 to index
      %get3A_194 = arith.constant 192 : index
      %get3A_195 = tpu.vector_load %arg7[%get3A_193, %get3A_194] {strides = array<i32>} : memref<8x768xf32, #tpu.memory_space<vmem>>, vector<1x16xf32>,
      %get3A_196 = vector.shape_cast %get3A_195 : vector<1x16xf32> to vector<16xf32>
      %get3A_197 = arith.index_cast %scan3A_25 : i32 to index
      %get3A_198 = arith.constant 192 : index
      %get3A_199 = tpu.vector_load %arg8[%get3A_197, %get3A_198] {strides = array<i32>} : memref<8x768xf32, #tpu.memory_space<vmem>>, vector<1x16xf32>,
      %get3A_200 = vector.shape_cast %get3A_199 : vector<1x16xf32> to vector<16xf32>
      %add3A_201 = arith.addf %get3A_196, %get3A_200 : vector<16xf32>
      %swap3A_202 = arith.index_cast %scan3A_25 : i32 to index
      %swap3A_203 = arith.constant 192 : index
      %swap3A_204 = tpu.vector_load %arg7[%swap3A_202, %swap3A_203] {strides = array<i32>} : memref<8x768xf32, #tpu.memory_space<vmem>>, vector<1x16xf32>,
      %swap3A_205 = vector.shape_cast %swap3A_204 : vector<1x16xf32> to vector<16xf32>
      %swap3A_206 = vector.shape_cast %add3A_201 : vector<16xf32> to vector<1x16xf32>
      tpu.vector_store %arg7[%swap3A_202, %swap3A_203], %swap3A_206 {strides = array<i32>} : memref<8x768xf32, #tpu.memory_space<vmem>>, vector<1x16xf32>,
      %get3A_207 = arith.index_cast %scan3A_25 : i32 to index
      %get3A_208 = arith.constant 208 : index
      %get3A_209 = tpu.vector_load %arg7[%get3A_207, %get3A_208] {strides = array<i32>} : memref<8x768xf32, #tpu.memory_space<vmem>>, vector<1x16xf32>,
      %get3A_210 = vector.shape_cast %get3A_209 : vector<1x16xf32> to vector<16xf32>
      %get3A_211 = arith.index_cast %scan3A_25 : i32 to index
      %get3A_212 = arith.constant 208 : index
      %get3A_213 = tpu.vector_load %arg8[%get3A_211, %get3A_212] {strides = array<i32>} : memref<8x768xf32, #tpu.memory_space<vmem>>, vector<1x16xf32>,
      %get3A_214 = vector.shape_cast %get3A_213 : vector<1x16xf32> to vector<16xf32>
      %add3A_215 = arith.addf %get3A_210, %get3A_214 : vector<16xf32>
      %swap3A_216 = arith.index_cast %scan3A_25 : i32 to index
      %swap3A_217 = arith.constant 208 : index
      %swap3A_218 = tpu.vector_load %arg7[%swap3A_216, %swap3A_217] {strides = array<i32>} : memref<8x768xf32, #tpu.memory_space<vmem>>, vector<1x16xf32>,
      %swap3A_219 = vector.shape_cast %swap3A_218 : vector<1x16xf32> to vector<16xf32>
      %swap3A_220 = vector.shape_cast %add3A_215 : vector<16xf32> to vector<1x16xf32>
      tpu.vector_store %arg7[%swap3A_216, %swap3A_217], %swap3A_220 {strides = array<i32>} : memref<8x768xf32, #tpu.memory_space<vmem>>, vector<1x16xf32>,
      %get3A_221 = arith.index_cast %scan3A_25 : i32 to index
      %get3A_222 = arith.constant 224 : index
      %get3A_223 = tpu.vector_load %arg7[%get3A_221, %get3A_222] {strides = array<i32>} : memref<8x768xf32, #tpu.memory_space<vmem>>, vector<1x16xf32>,
      %get3A_224 = vector.shape_cast %get3A_223 : vector<1x16xf32> to vector<16xf32>
      %get3A_225 = arith.index_cast %scan3A_25 : i32 to index
      %get3A_226 = arith.constant 224 : index
      %get3A_227 = tpu.vector_load %arg8[%get3A_225, %get3A_226] {strides = array<i32>} : memref<8x768xf32, #tpu.memory_space<vmem>>, vector<1x16xf32>,
      %get3A_228 = vector.shape_cast %get3A_227 : vector<1x16xf32> to vector<16xf32>
      %add3A_229 = arith.addf %get3A_224, %get3A_228 : vector<16xf32>
      %swap3A_230 = arith.index_cast %scan3A_25 : i32 to index
      %swap3A_231 = arith.constant 224 : index
      %swap3A_232 = tpu.vector_load %arg7[%swap3A_230, %swap3A_231] {strides = array<i32>} : memref<8x768xf32, #tpu.memory_space<vmem>>, vector<1x16xf32>,
      %swap3A_233 = vector.shape_cast %swap3A_232 : vector<1x16xf32> to vector<16xf32>
      %swap3A_234 = vector.shape_cast %add3A_229 : vector<16xf32> to vector<1x16xf32>
      tpu.vector_store %arg7[%swap3A_230, %swap3A_231], %swap3A_234 {strides = array<i32>} : memref<8x768xf32, #tpu.memory_space<vmem>>, vector<1x16xf32>,
      %get3A_235 = arith.index_cast %scan3A_25 : i32 to index
      %get3A_236 = arith.constant 240 : index
      %get3A_237 = tpu.vector_load %arg7[%get3A_235, %get3A_236] {strides = array<i32>} : memref<8x768xf32, #tpu.memory_space<vmem>>, vector<1x16xf32>,
      %get3A_238 = vector.shape_cast %get3A_237 : vector<1x16xf32> to vector<16xf32>
      %get3A_239 = arith.index_cast %scan3A_25 : i32 to index
      %get3A_240 = arith.constant 240 : index
      %get3A_241 = tpu.vector_load %arg8[%get3A_239, %get3A_240] {strides = array<i32>} : memref<8x768xf32, #tpu.memory_space<vmem>>, vector<1x16xf32>,
      %get3A_242 = vector.shape_cast %get3A_241 : vector<1x16xf32> to vector<16xf32>
      %add3A_243 = arith.addf %get3A_238, %get3A_242 : vector<16xf32>
      %swap3A_244 = arith.index_cast %scan3A_25 : i32 to index
      %swap3A_245 = arith.constant 240 : index
      %swap3A_246 = tpu.vector_load %arg7[%swap3A_244, %swap3A_245] {strides = array<i32>} : memref<8x768xf32, #tpu.memory_space<vmem>>, vector<1x16xf32>,
      %swap3A_247 = vector.shape_cast %swap3A_246 : vector<1x16xf32> to vector<16xf32>
      %swap3A_248 = vector.shape_cast %add3A_243 : vector<16xf32> to vector<1x16xf32>
      tpu.vector_store %arg7[%swap3A_244, %swap3A_245], %swap3A_248 {strides = array<i32>} : memref<8x768xf32, #tpu.memory_space<vmem>>, vector<1x16xf32>,
      %get3A_249 = arith.index_cast %scan3A_25 : i32 to index
      %get3A_250 = arith.constant 256 : index
      %get3A_251 = tpu.vector_load %arg7[%get3A_249, %get3A_250] {strides = array<i32>} : memref<8x768xf32, #tpu.memory_space<vmem>>, vector<1x16xf32>,
      %get3A_252 = vector.shape_cast %get3A_251 : vector<1x16xf32> to vector<16xf32>
      %get3A_253 = arith.index_cast %scan3A_25 : i32 to index
      %get3A_254 = arith.constant 256 : index
      %get3A_255 = tpu.vector_load %arg8[%get3A_253, %get3A_254] {strides = array<i32>} : memref<8x768xf32, #tpu.memory_space<vmem>>, vector<1x16xf32>,
      %get3A_256 = vector.shape_cast %get3A_255 : vector<1x16xf32> to vector<16xf32>
      %add3A_257 = arith.addf %get3A_252, %get3A_256 : vector<16xf32>
      %swap3A_258 = arith.index_cast %scan3A_25 : i32 to index
      %swap3A_259 = arith.constant 256 : index
      %swap3A_260 = tpu.vector_load %arg7[%swap3A_258, %swap3A_259] {strides = array<i32>} : memref<8x768xf32, #tpu.memory_space<vmem>>, vector<1x16xf32>,
      %swap3A_261 = vector.shape_cast %swap3A_260 : vector<1x16xf32> to vector<16xf32>
      %swap3A_262 = vector.shape_cast %add3A_257 : vector<16xf32> to vector<1x16xf32>
      tpu.vector_store %arg7[%swap3A_258, %swap3A_259], %swap3A_262 {strides = array<i32>} : memref<8x768xf32, #tpu.memory_space<vmem>>, vector<1x16xf32>,
      %get3A_263 = arith.index_cast %scan3A_25 : i32 to index
      %get3A_264 = arith.constant 272 : index
      %get3A_265 = tpu.vector_load %arg7[%get3A_263, %get3A_264] {strides = array<i32>} : memref<8x768xf32, #tpu.memory_space<vmem>>, vector<1x16xf32>,
      %get3A_266 = vector.shape_cast %get3A_265 : vector<1x16xf32> to vector<16xf32>
      %get3A_267 = arith.index_cast %scan3A_25 : i32 to index
      %get3A_268 = arith.constant 272 : index
      %get3A_269 = tpu.vector_load %arg8[%get3A_267, %get3A_268] {strides = array<i32>} : memref<8x768xf32, #tpu.memory_space<vmem>>, vector<1x16xf32>,
      %get3A_270 = vector.shape_cast %get3A_269 : vector<1x16xf32> to vector<16xf32>
      %add3A_271 = arith.addf %get3A_266, %get3A_270 : vector<16xf32>
      %swap3A_272 = arith.index_cast %scan3A_25 : i32 to index
      %swap3A_273 = arith.constant 272 : index
      %swap3A_274 = tpu.vector_load %arg7[%swap3A_272, %swap3A_273] {strides = array<i32>} : memref<8x768xf32, #tpu.memory_space<vmem>>, vector<1x16xf32>,
      %swap3A_275 = vector.shape_cast %swap3A_274 : vector<1x16xf32> to vector<16xf32>
      %swap3A_276 = vector.shape_cast %add3A_271 : vector<16xf32> to vector<1x16xf32>
      tpu.vector_store %arg7[%swap3A_272, %swap3A_273], %swap3A_276 {strides = array<i32>} : memref<8x768xf32, #tpu.memory_space<vmem>>, vector<1x16xf32>,
      %get3A_277 = arith.index_cast %scan3A_25 : i32 to index
      %get3A_278 = arith.constant 288 : index
      %get3A_279 = tpu.vector_load %arg7[%get3A_277, %get3A_278] {strides = array<i32>} : memref<8x768xf32, #tpu.memory_space<vmem>>, vector<1x16xf32>,
      %get3A_280 = vector.shape_cast %get3A_279 : vector<1x16xf32> to vector<16xf32>
      %get3A_281 = arith.index_cast %scan3A_25 : i32 to index
      %get3A_282 = arith.constant 288 : index
      %get3A_283 = tpu.vector_load %arg8[%get3A_281, %get3A_282] {strides = array<i32>} : memref<8x768xf32, #tpu.memory_space<vmem>>, vector<1x16xf32>,
      %get3A_284 = vector.shape_cast %get3A_283 : vector<1x16xf32> to vector<16xf32>
      %add3A_285 = arith.addf %get3A_280, %get3A_284 : vector<16xf32>
      %swap3A_286 = arith.index_cast %scan3A_25 : i32 to index
      %swap3A_287 = arith.constant 288 : index
      %swap3A_288 = tpu.vector_load %arg7[%swap3A_286, %swap3A_287] {strides = array<i32>} : memref<8x768xf32, #tpu.memory_space<vmem>>, vector<1x16xf32>,
      %swap3A_289 = vector.shape_cast %swap3A_288 : vector<1x16xf32> to vector<16xf32>
      %swap3A_290 = vector.shape_cast %add3A_285 : vector<16xf32> to vector<1x16xf32>
      tpu.vector_store %arg7[%swap3A_286, %swap3A_287], %swap3A_290 {strides = array<i32>} : memref<8x768xf32, #tpu.memory_space<vmem>>, vector<1x16xf32>,
      %get3A_291 = arith.index_cast %scan3A_25 : i32 to index
      %get3A_292 = arith.constant 304 : index
      %get3A_293 = tpu.vector_load %arg7[%get3A_291, %get3A_292] {strides = array<i32>} : memref<8x768xf32, #tpu.memory_space<vmem>>, vector<1x16xf32>,
      %get3A_294 = vector.shape_cast %get3A_293 : vector<1x16xf32> to vector<16xf32>
      %get3A_295 = arith.index_cast %scan3A_25 : i32 to index
      %get3A_296 = arith.constant 304 : index
      %get3A_297 = tpu.vector_load %arg8[%get3A_295, %get3A_296] {strides = array<i32>} : memref<8x768xf32, #tpu.memory_space<vmem>>, vector<1x16xf32>,
      %get3A_298 = vector.shape_cast %get3A_297 : vector<1x16xf32> to vector<16xf32>
      %add3A_299 = arith.addf %get3A_294, %get3A_298 : vector<16xf32>
      %swap3A_300 = arith.index_cast %scan3A_25 : i32 to index
      %swap3A_301 = arith.constant 304 : index
      %swap3A_302 = tpu.vector_load %arg7[%swap3A_300, %swap3A_301] {strides = array<i32>} : memref<8x768xf32, #tpu.memory_space<vmem>>, vector<1x16xf32>,
      %swap3A_303 = vector.shape_cast %swap3A_302 : vector<1x16xf32> to vector<16xf32>
      %swap3A_304 = vector.shape_cast %add3A_299 : vector<16xf32> to vector<1x16xf32>
      tpu.vector_store %arg7[%swap3A_300, %swap3A_301], %swap3A_304 {strides = array<i32>} : memref<8x768xf32, #tpu.memory_space<vmem>>, vector<1x16xf32>,
      %get3A_305 = arith.index_cast %scan3A_25 : i32 to index
      %get3A_306 = arith.constant 320 : index
      %get3A_307 = tpu.vector_load %arg7[%get3A_305, %get3A_306] {strides = array<i32>} : memref<8x768xf32, #tpu.memory_space<vmem>>, vector<1x16xf32>,
      %get3A_308 = vector.shape_cast %get3A_307 : vector<1x16xf32> to vector<16xf32>
      %get3A_309 = arith.index_cast %scan3A_25 : i32 to index
      %get3A_310 = arith.constant 320 : index
      %get3A_311 = tpu.vector_load %arg8[%get3A_309, %get3A_310] {strides = array<i32>} : memref<8x768xf32, #tpu.memory_space<vmem>>, vector<1x16xf32>,
      %get3A_312 = vector.shape_cast %get3A_311 : vector<1x16xf32> to vector<16xf32>
      %add3A_313 = arith.addf %get3A_308, %get3A_312 : vector<16xf32>
      %swap3A_314 = arith.index_cast %scan3A_25 : i32 to index
      %swap3A_315 = arith.constant 320 : index
      %swap3A_316 = tpu.vector_load %arg7[%swap3A_314, %swap3A_315] {strides = array<i32>} : memref<8x768xf32, #tpu.memory_space<vmem>>, vector<1x16xf32>,
      %swap3A_317 = vector.shape_cast %swap3A_316 : vector<1x16xf32> to vector<16xf32>
      %swap3A_318 = vector.shape_cast %add3A_313 : vector<16xf32> to vector<1x16xf32>
      tpu.vector_store %arg7[%swap3A_314, %swap3A_315], %swap3A_318 {strides = array<i32>} : memref<8x768xf32, #tpu.memory_space<vmem>>, vector<1x16xf32>,
      %get3A_319 = arith.index_cast %scan3A_25 : i32 to index
      %get3A_320 = arith.constant 336 : index
      %get3A_321 = tpu.vector_load %arg7[%get3A_319, %get3A_320] {strides = array<i32>} : memref<8x768xf32, #tpu.memory_space<vmem>>, vector<1x16xf32>,
      %get3A_322 = vector.shape_cast %get3A_321 : vector<1x16xf32> to vector<16xf32>
      %get3A_323 = arith.index_cast %scan3A_25 : i32 to index
      %get3A_324 = arith.constant 336 : index
      %get3A_325 = tpu.vector_load %arg8[%get3A_323, %get3A_324] {strides = array<i32>} : memref<8x768xf32, #tpu.memory_space<vmem>>, vector<1x16xf32>,
      %get3A_326 = vector.shape_cast %get3A_325 : vector<1x16xf32> to vector<16xf32>
      %add3A_327 = arith.addf %get3A_322, %get3A_326 : vector<16xf32>
      %swap3A_328 = arith.index_cast %scan3A_25 : i32 to index
      %swap3A_329 = arith.constant 336 : index
      %swap3A_330 = tpu.vector_load %arg7[%swap3A_328, %swap3A_329] {strides = array<i32>} : memref<8x768xf32, #tpu.memory_space<vmem>>, vector<1x16xf32>,
      %swap3A_331 = vector.shape_cast %swap3A_330 : vector<1x16xf32> to vector<16xf32>
      %swap3A_332 = vector.shape_cast %add3A_327 : vector<16xf32> to vector<1x16xf32>
      tpu.vector_store %arg7[%swap3A_328, %swap3A_329], %swap3A_332 {strides = array<i32>} : memref<8x768xf32, #tpu.memory_space<vmem>>, vector<1x16xf32>,
      %get3A_333 = arith.index_cast %scan3A_25 : i32 to index
      %get3A_334 = arith.constant 352 : index
      %get3A_335 = tpu.vector_load %arg7[%get3A_333, %get3A_334] {strides = array<i32>} : memref<8x768xf32, #tpu.memory_space<vmem>>, vector<1x16xf32>,
      %get3A_336 = vector.shape_cast %get3A_335 : vector<1x16xf32> to vector<16xf32>
      %get3A_337 = arith.index_cast %scan3A_25 : i32 to index
      %get3A_338 = arith.constant 352 : index
      %get3A_339 = tpu.vector_load %arg8[%get3A_337, %get3A_338] {strides = array<i32>} : memref<8x768xf32, #tpu.memory_space<vmem>>, vector<1x16xf32>,
      %get3A_340 = vector.shape_cast %get3A_339 : vector<1x16xf32> to vector<16xf32>
      %add3A_341 = arith.addf %get3A_336, %get3A_340 : vector<16xf32>
      %swap3A_342 = arith.index_cast %scan3A_25 : i32 to index
      %swap3A_343 = arith.constant 352 : index
      %swap3A_344 = tpu.vector_load %arg7[%swap3A_342, %swap3A_343] {strides = array<i32>} : memref<8x768xf32, #tpu.memory_space<vmem>>, vector<1x16xf32>,
      %swap3A_345 = vector.shape_cast %swap3A_344 : vector<1x16xf32> to vector<16xf32>
      %swap3A_346 = vector.shape_cast %add3A_341 : vector<16xf32> to vector<1x16xf32>
      tpu.vector_store %arg7[%swap3A_342, %swap3A_343], %swap3A_346 {strides = array<i32>} : memref<8x768xf32, #tpu.memory_space<vmem>>, vector<1x16xf32>,
      %get3A_347 = arith.index_cast %scan3A_25 : i32 to index
      %get3A_348 = arith.constant 368 : index
      %get3A_349 = tpu.vector_load %arg7[%get3A_347, %get3A_348] {strides = array<i32>} : memref<8x768xf32, #tpu.memory_space<vmem>>, vector<1x16xf32>,
      %get3A_350 = vector.shape_cast %get3A_349 : vector<1x16xf32> to vector<16xf32>
      %get3A_351 = arith.index_cast %scan3A_25 : i32 to index
      %get3A_352 = arith.constant 368 : index
      %get3A_353 = tpu.vector_load %arg8[%get3A_351, %get3A_352] {strides = array<i32>} : memref<8x768xf32, #tpu.memory_space<vmem>>, vector<1x16xf32>,
      %get3A_354 = vector.shape_cast %get3A_353 : vector<1x16xf32> to vector<16xf32>
      %add3A_355 = arith.addf %get3A_350, %get3A_354 : vector<16xf32>
      %swap3A_356 = arith.index_cast %scan3A_25 : i32 to index
      %swap3A_357 = arith.constant 368 : index
      %swap3A_358 = tpu.vector_load %arg7[%swap3A_356, %swap3A_357] {strides = array<i32>} : memref<8x768xf32, #tpu.memory_space<vmem>>, vector<1x16xf32>,
      %swap3A_359 = vector.shape_cast %swap3A_358 : vector<1x16xf32> to vector<16xf32>
      %swap3A_360 = vector.shape_cast %add3A_355 : vector<16xf32> to vector<1x16xf32>
      tpu.vector_store %arg7[%swap3A_356, %swap3A_357], %swap3A_360 {strides = array<i32>} : memref<8x768xf32, #tpu.memory_space<vmem>>, vector<1x16xf32>,
      %get3A_361 = arith.index_cast %scan3A_25 : i32 to index
      %get3A_362 = arith.constant 384 : index
      %get3A_363 = tpu.vector_load %arg7[%get3A_361, %get3A_362] {strides = array<i32>} : memref<8x768xf32, #tpu.memory_space<vmem>>, vector<1x16xf32>,
      %get3A_364 = vector.shape_cast %get3A_363 : vector<1x16xf32> to vector<16xf32>
      %get3A_365 = arith.index_cast %scan3A_25 : i32 to index
      %get3A_366 = arith.constant 384 : index
      %get3A_367 = tpu.vector_load %arg8[%get3A_365, %get3A_366] {strides = array<i32>} : memref<8x768xf32, #tpu.memory_space<vmem>>, vector<1x16xf32>,
      %get3A_368 = vector.shape_cast %get3A_367 : vector<1x16xf32> to vector<16xf32>
      %add3A_369 = arith.addf %get3A_364, %get3A_368 : vector<16xf32>
      %swap3A_370 = arith.index_cast %scan3A_25 : i32 to index
      %swap3A_371 = arith.constant 384 : index
      %swap3A_372 = tpu.vector_load %arg7[%swap3A_370, %swap3A_371] {strides = array<i32>} : memref<8x768xf32, #tpu.memory_space<vmem>>, vector<1x16xf32>,
      %swap3A_373 = vector.shape_cast %swap3A_372 : vector<1x16xf32> to vector<16xf32>
      %swap3A_374 = vector.shape_cast %add3A_369 : vector<16xf32> to vector<1x16xf32>
      tpu.vector_store %arg7[%swap3A_370, %swap3A_371], %swap3A_374 {strides = array<i32>} : memref<8x768xf32, #tpu.memory_space<vmem>>, vector<1x16xf32>,
      %get3A_375 = arith.index_cast %scan3A_25 : i32 to index
      %get3A_376 = arith.constant 400 : index
      %get3A_377 = tpu.vector_load %arg7[%get3A_375, %get3A_376] {strides = array<i32>} : memref<8x768xf32, #tpu.memory_space<vmem>>, vector<1x16xf32>,
      %get3A_378 = vector.shape_cast %get3A_377 : vector<1x16xf32> to vector<16xf32>
      %get3A_379 = arith.index_cast %scan3A_25 : i32 to index
      %get3A_380 = arith.constant 400 : index
      %get3A_381 = tpu.vector_load %arg8[%get3A_379, %get3A_380] {strides = array<i32>} : memref<8x768xf32, #tpu.memory_space<vmem>>, vector<1x16xf32>,
      %get3A_382 = vector.shape_cast %get3A_381 : vector<1x16xf32> to vector<16xf32>
      %add3A_383 = arith.addf %get3A_378, %get3A_382 : vector<16xf32>
      %swap3A_384 = arith.index_cast %scan3A_25 : i32 to index
      %swap3A_385 = arith.constant 400 : index
      %swap3A_386 = tpu.vector_load %arg7[%swap3A_384, %swap3A_385] {strides = array<i32>} : memref<8x768xf32, #tpu.memory_space<vmem>>, vector<1x16xf32>,
      %swap3A_387 = vector.shape_cast %swap3A_386 : vector<1x16xf32> to vector<16xf32>
      %swap3A_388 = vector.shape_cast %add3A_383 : vector<16xf32> to vector<1x16xf32>
      tpu.vector_store %arg7[%swap3A_384, %swap3A_385], %swap3A_388 {strides = array<i32>} : memref<8x768xf32, #tpu.memory_space<vmem>>, vector<1x16xf32>,
      %get3A_389 = arith.index_cast %scan3A_25 : i32 to index
      %get3A_390 = arith.constant 416 : index
      %get3A_391 = tpu.vector_load %arg7[%get3A_389, %get3A_390] {strides = array<i32>} : memref<8x768xf32, #tpu.memory_space<vmem>>, vector<1x16xf32>,
      %get3A_392 = vector.shape_cast %get3A_391 : vector<1x16xf32> to vector<16xf32>
      %get3A_393 = arith.index_cast %scan3A_25 : i32 to index
      %get3A_394 = arith.constant 416 : index
      %get3A_395 = tpu.vector_load %arg8[%get3A_393, %get3A_394] {strides = array<i32>} : memref<8x768xf32, #tpu.memory_space<vmem>>, vector<1x16xf32>,
      %get3A_396 = vector.shape_cast %get3A_395 : vector<1x16xf32> to vector<16xf32>
      %add3A_397 = arith.addf %get3A_392, %get3A_396 : vector<16xf32>
      %swap3A_398 = arith.index_cast %scan3A_25 : i32 to index
      %swap3A_399 = arith.constant 416 : index
      %swap3A_400 = tpu.vector_load %arg7[%swap3A_398, %swap3A_399] {strides = array<i32>} : memref<8x768xf32, #tpu.memory_space<vmem>>, vector<1x16xf32>,
      %swap3A_401 = vector.shape_cast %swap3A_400 : vector<1x16xf32> to vector<16xf32>
      %swap3A_402 = vector.shape_cast %add3A_397 : vector<16xf32> to vector<1x16xf32>
      tpu.vector_store %arg7[%swap3A_398, %swap3A_399], %swap3A_402 {strides = array<i32>} : memref<8x768xf32, #tpu.memory_space<vmem>>, vector<1x16xf32>,
      %get3A_403 = arith.index_cast %scan3A_25 : i32 to index
      %get3A_404 = arith.constant 432 : index
      %get3A_405 = tpu.vector_load %arg7[%get3A_403, %get3A_404] {strides = array<i32>} : memref<8x768xf32, #tpu.memory_space<vmem>>, vector<1x16xf32>,
      %get3A_406 = vector.shape_cast %get3A_405 : vector<1x16xf32> to vector<16xf32>
      %get3A_407 = arith.index_cast %scan3A_25 : i32 to index
      %get3A_408 = arith.constant 432 : index
      %get3A_409 = tpu.vector_load %arg8[%get3A_407, %get3A_408] {strides = array<i32>} : memref<8x768xf32, #tpu.memory_space<vmem>>, vector<1x16xf32>,
      %get3A_410 = vector.shape_cast %get3A_409 : vector<1x16xf32> to vector<16xf32>
      %add3A_411 = arith.addf %get3A_406, %get3A_410 : vector<16xf32>
      %swap3A_412 = arith.index_cast %scan3A_25 : i32 to index
      %swap3A_413 = arith.constant 432 : index
      %swap3A_414 = tpu.vector_load %arg7[%swap3A_412, %swap3A_413] {strides = array<i32>} : memref<8x768xf32, #tpu.memory_space<vmem>>, vector<1x16xf32>,
      %swap3A_415 = vector.shape_cast %swap3A_414 : vector<1x16xf32> to vector<16xf32>
      %swap3A_416 = vector.shape_cast %add3A_411 : vector<16xf32> to vector<1x16xf32>
      tpu.vector_store %arg7[%swap3A_412, %swap3A_413], %swap3A_416 {strides = array<i32>} : memref<8x768xf32, #tpu.memory_space<vmem>>, vector<1x16xf32>,
      %get3A_417 = arith.index_cast %scan3A_25 : i32 to index
      %get3A_418 = arith.constant 448 : index
      %get3A_419 = tpu.vector_load %arg7[%get3A_417, %get3A_418] {strides = array<i32>} : memref<8x768xf32, #tpu.memory_space<vmem>>, vector<1x16xf32>,
      %get3A_420 = vector.shape_cast %get3A_419 : vector<1x16xf32> to vector<16xf32>
      %get3A_421 = arith.index_cast %scan3A_25 : i32 to index
      %get3A_422 = arith.constant 448 : index
      %get3A_423 = tpu.vector_load %arg8[%get3A_421, %get3A_422] {strides = array<i32>} : memref<8x768xf32, #tpu.memory_space<vmem>>, vector<1x16xf32>,
      %get3A_424 = vector.shape_cast %get3A_423 : vector<1x16xf32> to vector<16xf32>
      %add3A_425 = arith.addf %get3A_420, %get3A_424 : vector<16xf32>
      %swap3A_426 = arith.index_cast %scan3A_25 : i32 to index
      %swap3A_427 = arith.constant 448 : index
      %swap3A_428 = tpu.vector_load %arg7[%swap3A_426, %swap3A_427] {strides = array<i32>} : memref<8x768xf32, #tpu.memory_space<vmem>>, vector<1x16xf32>,
      %swap3A_429 = vector.shape_cast %swap3A_428 : vector<1x16xf32> to vector<16xf32>
      %swap3A_430 = vector.shape_cast %add3A_425 : vector<16xf32> to vector<1x16xf32>
      tpu.vector_store %arg7[%swap3A_426, %swap3A_427], %swap3A_430 {strides = array<i32>} : memref<8x768xf32, #tpu.memory_space<vmem>>, vector<1x16xf32>,
      %get3A_431 = arith.index_cast %scan3A_25 : i32 to index
      %get3A_432 = arith.constant 464 : index
      %get3A_433 = tpu.vector_load %arg7[%get3A_431, %get3A_432] {strides = array<i32>} : memref<8x768xf32, #tpu.memory_space<vmem>>, vector<1x16xf32>,
      %get3A_434 = vector.shape_cast %get3A_433 : vector<1x16xf32> to vector<16xf32>
      %get3A_435 = arith.index_cast %scan3A_25 : i32 to index
      %get3A_436 = arith.constant 464 : index
      %get3A_437 = tpu.vector_load %arg8[%get3A_435, %get3A_436] {strides = array<i32>} : memref<8x768xf32, #tpu.memory_space<vmem>>, vector<1x16xf32>,
      %get3A_438 = vector.shape_cast %get3A_437 : vector<1x16xf32> to vector<16xf32>
      %add3A_439 = arith.addf %get3A_434, %get3A_438 : vector<16xf32>
      %swap3A_440 = arith.index_cast %scan3A_25 : i32 to index
      %swap3A_441 = arith.constant 464 : index
      %swap3A_442 = tpu.vector_load %arg7[%swap3A_440, %swap3A_441] {strides = array<i32>} : memref<8x768xf32, #tpu.memory_space<vmem>>, vector<1x16xf32>,
      %swap3A_443 = vector.shape_cast %swap3A_442 : vector<1x16xf32> to vector<16xf32>
      %swap3A_444 = vector.shape_cast %add3A_439 : vector<16xf32> to vector<1x16xf32>
      tpu.vector_store %arg7[%swap3A_440, %swap3A_441], %swap3A_444 {strides = array<i32>} : memref<8x768xf32, #tpu.memory_space<vmem>>, vector<1x16xf32>,
      %get3A_445 = arith.index_cast %scan3A_25 : i32 to index
      %get3A_446 = arith.constant 480 : index
      %get3A_447 = tpu.vector_load %arg7[%get3A_445, %get3A_446] {strides = array<i32>} : memref<8x768xf32, #tpu.memory_space<vmem>>, vector<1x16xf32>,
      %get3A_448 = vector.shape_cast %get3A_447 : vector<1x16xf32> to vector<16xf32>
      %get3A_449 = arith.index_cast %scan3A_25 : i32 to index
      %get3A_450 = arith.constant 480 : index
      %get3A_451 = tpu.vector_load %arg8[%get3A_449, %get3A_450] {strides = array<i32>} : memref<8x768xf32, #tpu.memory_space<vmem>>, vector<1x16xf32>,
      %get3A_452 = vector.shape_cast %get3A_451 : vector<1x16xf32> to vector<16xf32>
      %add3A_453 = arith.addf %get3A_448, %get3A_452 : vector<16xf32>
      %swap3A_454 = arith.index_cast %scan3A_25 : i32 to index
      %swap3A_455 = arith.constant 480 : index
      %swap3A_456 = tpu.vector_load %arg7[%swap3A_454, %swap3A_455] {strides = array<i32>} : memref<8x768xf32, #tpu.memory_space<vmem>>, vector<1x16xf32>,
      %swap3A_457 = vector.shape_cast %swap3A_456 : vector<1x16xf32> to vector<16xf32>
      %swap3A_458 = vector.shape_cast %add3A_453 : vector<16xf32> to vector<1x16xf32>
      tpu.vector_store %arg7[%swap3A_454, %swap3A_455], %swap3A_458 {strides = array<i32>} : memref<8x768xf32, #tpu.memory_space<vmem>>, vector<1x16xf32>,
      %get3A_459 = arith.index_cast %scan3A_25 : i32 to index
      %get3A_460 = arith.constant 496 : index
      %get3A_461 = tpu.vector_load %arg7[%get3A_459, %get3A_460] {strides = array<i32>} : memref<8x768xf32, #tpu.memory_space<vmem>>, vector<1x16xf32>,
      %get3A_462 = vector.shape_cast %get3A_461 : vector<1x16xf32> to vector<16xf32>
      %get3A_463 = arith.index_cast %scan3A_25 : i32 to index
      %get3A_464 = arith.constant 496 : index
      %get3A_465 = tpu.vector_load %arg8[%get3A_463, %get3A_464] {strides = array<i32>} : memref<8x768xf32, #tpu.memory_space<vmem>>, vector<1x16xf32>,
      %get3A_466 = vector.shape_cast %get3A_465 : vector<1x16xf32> to vector<16xf32>
      %add3A_467 = arith.addf %get3A_462, %get3A_466 : vector<16xf32>
      %swap3A_468 = arith.index_cast %scan3A_25 : i32 to index
      %swap3A_469 = arith.constant 496 : index
      %swap3A_470 = tpu.vector_load %arg7[%swap3A_468, %swap3A_469] {strides = array<i32>} : memref<8x768xf32, #tpu.memory_space<vmem>>, vector<1x16xf32>,
      %swap3A_471 = vector.shape_cast %swap3A_470 : vector<1x16xf32> to vector<16xf32>
      %swap3A_472 = vector.shape_cast %add3A_467 : vector<16xf32> to vector<1x16xf32>
      tpu.vector_store %arg7[%swap3A_468, %swap3A_469], %swap3A_472 {strides = array<i32>} : memref<8x768xf32, #tpu.memory_space<vmem>>, vector<1x16xf32>,
      %get3A_473 = arith.index_cast %scan3A_25 : i32 to index
      %get3A_474 = arith.constant 512 : index
      %get3A_475 = tpu.vector_load %arg7[%get3A_473, %get3A_474] {strides = array<i32>} : memref<8x768xf32, #tpu.memory_space<vmem>>, vector<1x16xf32>,
      %get3A_476 = vector.shape_cast %get3A_475 : vector<1x16xf32> to vector<16xf32>
      %get3A_477 = arith.index_cast %scan3A_25 : i32 to index
      %get3A_478 = arith.constant 512 : index
      %get3A_479 = tpu.vector_load %arg8[%get3A_477, %get3A_478] {strides = array<i32>} : memref<8x768xf32, #tpu.memory_space<vmem>>, vector<1x16xf32>,
      %get3A_480 = vector.shape_cast %get3A_479 : vector<1x16xf32> to vector<16xf32>
      %add3A_481 = arith.addf %get3A_476, %get3A_480 : vector<16xf32>
      %swap3A_482 = arith.index_cast %scan3A_25 : i32 to index
      %swap3A_483 = arith.constant 512 : index
      %swap3A_484 = tpu.vector_load %arg7[%swap3A_482, %swap3A_483] {strides = array<i32>} : memref<8x768xf32, #tpu.memory_space<vmem>>, vector<1x16xf32>,
      %swap3A_485 = vector.shape_cast %swap3A_484 : vector<1x16xf32> to vector<16xf32>
      %swap3A_486 = vector.shape_cast %add3A_481 : vector<16xf32> to vector<1x16xf32>
      tpu.vector_store %arg7[%swap3A_482, %swap3A_483], %swap3A_486 {strides = array<i32>} : memref<8x768xf32, #tpu.memory_space<vmem>>, vector<1x16xf32>,
      %get3A_487 = arith.index_cast %scan3A_25 : i32 to index
      %get3A_488 = arith.constant 528 : index
      %get3A_489 = tpu.vector_load %arg7[%get3A_487, %get3A_488] {strides = array<i32>} : memref<8x768xf32, #tpu.memory_space<vmem>>, vector<1x16xf32>,
      %get3A_490 = vector.shape_cast %get3A_489 : vector<1x16xf32> to vector<16xf32>
      %get3A_491 = arith.index_cast %scan3A_25 : i32 to index
      %get3A_492 = arith.constant 528 : index
      %get3A_493 = tpu.vector_load %arg8[%get3A_491, %get3A_492] {strides = array<i32>} : memref<8x768xf32, #tpu.memory_space<vmem>>, vector<1x16xf32>,
      %get3A_494 = vector.shape_cast %get3A_493 : vector<1x16xf32> to vector<16xf32>
      %add3A_495 = arith.addf %get3A_490, %get3A_494 : vector<16xf32>
      %swap3A_496 = arith.index_cast %scan3A_25 : i32 to index
      %swap3A_497 = arith.constant 528 : index
      %swap3A_498 = tpu.vector_load %arg7[%swap3A_496, %swap3A_497] {strides = array<i32>} : memref<8x768xf32, #tpu.memory_space<vmem>>, vector<1x16xf32>,
      %swap3A_499 = vector.shape_cast %swap3A_498 : vector<1x16xf32> to vector<16xf32>
      %swap3A_500 = vector.shape_cast %add3A_495 : vector<16xf32> to vector<1x16xf32>
      tpu.vector_store %arg7[%swap3A_496, %swap3A_497], %swap3A_500 {strides = array<i32>} : memref<8x768xf32, #tpu.memory_space<vmem>>, vector<1x16xf32>,
      %get3A_501 = arith.index_cast %scan3A_25 : i32 to index
      %get3A_502 = arith.constant 544 : index
      %get3A_503 = tpu.vector_load %arg7[%get3A_501, %get3A_502] {strides = array<i32>} : memref<8x768xf32, #tpu.memory_space<vmem>>, vector<1x16xf32>,
      %get3A_504 = vector.shape_cast %get3A_503 : vector<1x16xf32> to vector<16xf32>
      %get3A_505 = arith.index_cast %scan3A_25 : i32 to index
      %get3A_506 = arith.constant 544 : index
      %get3A_507 = tpu.vector_load %arg8[%get3A_505, %get3A_506] {strides = array<i32>} : memref<8x768xf32, #tpu.memory_space<vmem>>, vector<1x16xf32>,
      %get3A_508 = vector.shape_cast %get3A_507 : vector<1x16xf32> to vector<16xf32>
      %add3A_509 = arith.addf %get3A_504, %get3A_508 : vector<16xf32>
      %swap3A_510 = arith.index_cast %scan3A_25 : i32 to index
      %swap3A_511 = arith.constant 544 : index
      %swap3A_512 = tpu.vector_load %arg7[%swap3A_510, %swap3A_511] {strides = array<i32>} : memref<8x768xf32, #tpu.memory_space<vmem>>, vector<1x16xf32>,
      %swap3A_513 = vector.shape_cast %swap3A_512 : vector<1x16xf32> to vector<16xf32>
      %swap3A_514 = vector.shape_cast %add3A_509 : vector<16xf32> to vector<1x16xf32>
      tpu.vector_store %arg7[%swap3A_510, %swap3A_511], %swap3A_514 {strides = array<i32>} : memref<8x768xf32, #tpu.memory_space<vmem>>, vector<1x16xf32>,
      %get3A_515 = arith.index_cast %scan3A_25 : i32 to index
      %get3A_516 = arith.constant 560 : index
      %get3A_517 = tpu.vector_load %arg7[%get3A_515, %get3A_516] {strides = array<i32>} : memref<8x768xf32, #tpu.memory_space<vmem>>, vector<1x16xf32>,
      %get3A_518 = vector.shape_cast %get3A_517 : vector<1x16xf32> to vector<16xf32>
      %get3A_519 = arith.index_cast %scan3A_25 : i32 to index
      %get3A_520 = arith.constant 560 : index
      %get3A_521 = tpu.vector_load %arg8[%get3A_519, %get3A_520] {strides = array<i32>} : memref<8x768xf32, #tpu.memory_space<vmem>>, vector<1x16xf32>,
      %get3A_522 = vector.shape_cast %get3A_521 : vector<1x16xf32> to vector<16xf32>
      %add3A_523 = arith.addf %get3A_518, %get3A_522 : vector<16xf32>
      %swap3A_524 = arith.index_cast %scan3A_25 : i32 to index
      %swap3A_525 = arith.constant 560 : index
      %swap3A_526 = tpu.vector_load %arg7[%swap3A_524, %swap3A_525] {strides = array<i32>} : memref<8x768xf32, #tpu.memory_space<vmem>>, vector<1x16xf32>,
      %swap3A_527 = vector.shape_cast %swap3A_526 : vector<1x16xf32> to vector<16xf32>
      %swap3A_528 = vector.shape_cast %add3A_523 : vector<16xf32> to vector<1x16xf32>
      tpu.vector_store %arg7[%swap3A_524, %swap3A_525], %swap3A_528 {strides = array<i32>} : memref<8x768xf32, #tpu.memory_space<vmem>>, vector<1x16xf32>,
      %get3A_529 = arith.index_cast %scan3A_25 : i32 to index
      %get3A_530 = arith.constant 576 : index
      %get3A_531 = tpu.vector_load %arg7[%get3A_529, %get3A_530] {strides = array<i32>} : memref<8x768xf32, #tpu.memory_space<vmem>>, vector<1x16xf32>,
      %get3A_532 = vector.shape_cast %get3A_531 : vector<1x16xf32> to vector<16xf32>
      %get3A_533 = arith.index_cast %scan3A_25 : i32 to index
      %get3A_534 = arith.constant 576 : index
      %get3A_535 = tpu.vector_load %arg8[%get3A_533, %get3A_534] {strides = array<i32>} : memref<8x768xf32, #tpu.memory_space<vmem>>, vector<1x16xf32>,
      %get3A_536 = vector.shape_cast %get3A_535 : vector<1x16xf32> to vector<16xf32>
      %add3A_537 = arith.addf %get3A_532, %get3A_536 : vector<16xf32>
      %swap3A_538 = arith.index_cast %scan3A_25 : i32 to index
      %swap3A_539 = arith.constant 576 : index
      %swap3A_540 = tpu.vector_load %arg7[%swap3A_538, %swap3A_539] {strides = array<i32>} : memref<8x768xf32, #tpu.memory_space<vmem>>, vector<1x16xf32>,
      %swap3A_541 = vector.shape_cast %swap3A_540 : vector<1x16xf32> to vector<16xf32>
      %swap3A_542 = vector.shape_cast %add3A_537 : vector<16xf32> to vector<1x16xf32>
      tpu.vector_store %arg7[%swap3A_538, %swap3A_539], %swap3A_542 {strides = array<i32>} : memref<8x768xf32, #tpu.memory_space<vmem>>, vector<1x16xf32>,
      %get3A_543 = arith.index_cast %scan3A_25 : i32 to index
      %get3A_544 = arith.constant 592 : index
      %get3A_545 = tpu.vector_load %arg7[%get3A_543, %get3A_544] {strides = array<i32>} : memref<8x768xf32, #tpu.memory_space<vmem>>, vector<1x16xf32>,
      %get3A_546 = vector.shape_cast %get3A_545 : vector<1x16xf32> to vector<16xf32>
      %get3A_547 = arith.index_cast %scan3A_25 : i32 to index
      %get3A_548 = arith.constant 592 : index
      %get3A_549 = tpu.vector_load %arg8[%get3A_547, %get3A_548] {strides = array<i32>} : memref<8x768xf32, #tpu.memory_space<vmem>>, vector<1x16xf32>,
      %get3A_550 = vector.shape_cast %get3A_549 : vector<1x16xf32> to vector<16xf32>
      %add3A_551 = arith.addf %get3A_546, %get3A_550 : vector<16xf32>
      %swap3A_552 = arith.index_cast %scan3A_25 : i32 to index
      %swap3A_553 = arith.constant 592 : index
      %swap3A_554 = tpu.vector_load %arg7[%swap3A_552, %swap3A_553] {strides = array<i32>} : memref<8x768xf32, #tpu.memory_space<vmem>>, vector<1x16xf32>,
      %swap3A_555 = vector.shape_cast %swap3A_554 : vector<1x16xf32> to vector<16xf32>
      %swap3A_556 = vector.shape_cast %add3A_551 : vector<16xf32> to vector<1x16xf32>
      tpu.vector_store %arg7[%swap3A_552, %swap3A_553], %swap3A_556 {strides = array<i32>} : memref<8x768xf32, #tpu.memory_space<vmem>>, vector<1x16xf32>,
      %get3A_557 = arith.index_cast %scan3A_25 : i32 to index
      %get3A_558 = arith.constant 608 : index
      %get3A_559 = tpu.vector_load %arg7[%get3A_557, %get3A_558] {strides = array<i32>} : memref<8x768xf32, #tpu.memory_space<vmem>>, vector<1x16xf32>,
      %get3A_560 = vector.shape_cast %get3A_559 : vector<1x16xf32> to vector<16xf32>
      %get3A_561 = arith.index_cast %scan3A_25 : i32 to index
      %get3A_562 = arith.constant 608 : index
      %get3A_563 = tpu.vector_load %arg8[%get3A_561, %get3A_562] {strides = array<i32>} : memref<8x768xf32, #tpu.memory_space<vmem>>, vector<1x16xf32>,
      %get3A_564 = vector.shape_cast %get3A_563 : vector<1x16xf32> to vector<16xf32>
      %add3A_565 = arith.addf %get3A_560, %get3A_564 : vector<16xf32>
      %swap3A_566 = arith.index_cast %scan3A_25 : i32 to index
      %swap3A_567 = arith.constant 608 : index
      %swap3A_568 = tpu.vector_load %arg7[%swap3A_566, %swap3A_567] {strides = array<i32>} : memref<8x768xf32, #tpu.memory_space<vmem>>, vector<1x16xf32>,
      %swap3A_569 = vector.shape_cast %swap3A_568 : vector<1x16xf32> to vector<16xf32>
      %swap3A_570 = vector.shape_cast %add3A_565 : vector<16xf32> to vector<1x16xf32>
      tpu.vector_store %arg7[%swap3A_566, %swap3A_567], %swap3A_570 {strides = array<i32>} : memref<8x768xf32, #tpu.memory_space<vmem>>, vector<1x16xf32>,
      %get3A_571 = arith.index_cast %scan3A_25 : i32 to index
      %get3A_572 = arith.constant 624 : index
      %get3A_573 = tpu.vector_load %arg7[%get3A_571, %get3A_572] {strides = array<i32>} : memref<8x768xf32, #tpu.memory_space<vmem>>, vector<1x16xf32>,
      %get3A_574 = vector.shape_cast %get3A_573 : vector<1x16xf32> to vector<16xf32>
      %get3A_575 = arith.index_cast %scan3A_25 : i32 to index
      %get3A_576 = arith.constant 624 : index
      %get3A_577 = tpu.vector_load %arg8[%get3A_575, %get3A_576] {strides = array<i32>} : memref<8x768xf32, #tpu.memory_space<vmem>>, vector<1x16xf32>,
      %get3A_578 = vector.shape_cast %get3A_577 : vector<1x16xf32> to vector<16xf32>
      %add3A_579 = arith.addf %get3A_574, %get3A_578 : vector<16xf32>
      %swap3A_580 = arith.index_cast %scan3A_25 : i32 to index
      %swap3A_581 = arith.constant 624 : index
      %swap3A_582 = tpu.vector_load %arg7[%swap3A_580, %swap3A_581] {strides = array<i32>} : memref<8x768xf32, #tpu.memory_space<vmem>>, vector<1x16xf32>,
      %swap3A_583 = vector.shape_cast %swap3A_582 : vector<1x16xf32> to vector<16xf32>
      %swap3A_584 = vector.shape_cast %add3A_579 : vector<16xf32> to vector<1x16xf32>
      tpu.vector_store %arg7[%swap3A_580, %swap3A_581], %swap3A_584 {strides = array<i32>} : memref<8x768xf32, #tpu.memory_space<vmem>>, vector<1x16xf32>,
      %get3A_585 = arith.index_cast %scan3A_25 : i32 to index
      %get3A_586 = arith.constant 640 : index
      %get3A_587 = tpu.vector_load %arg7[%get3A_585, %get3A_586] {strides = array<i32>} : memref<8x768xf32, #tpu.memory_space<vmem>>, vector<1x16xf32>,
      %get3A_588 = vector.shape_cast %get3A_587 : vector<1x16xf32> to vector<16xf32>
      %get3A_589 = arith.index_cast %scan3A_25 : i32 to index
      %get3A_590 = arith.constant 640 : index
      %get3A_591 = tpu.vector_load %arg8[%get3A_589, %get3A_590] {strides = array<i32>} : memref<8x768xf32, #tpu.memory_space<vmem>>, vector<1x16xf32>,
      %get3A_592 = vector.shape_cast %get3A_591 : vector<1x16xf32> to vector<16xf32>
      %add3A_593 = arith.addf %get3A_588, %get3A_592 : vector<16xf32>
      %swap3A_594 = arith.index_cast %scan3A_25 : i32 to index
      %swap3A_595 = arith.constant 640 : index
      %swap3A_596 = tpu.vector_load %arg7[%swap3A_594, %swap3A_595] {strides = array<i32>} : memref<8x768xf32, #tpu.memory_space<vmem>>, vector<1x16xf32>,
      %swap3A_597 = vector.shape_cast %swap3A_596 : vector<1x16xf32> to vector<16xf32>
      %swap3A_598 = vector.shape_cast %add3A_593 : vector<16xf32> to vector<1x16xf32>
      tpu.vector_store %arg7[%swap3A_594, %swap3A_595], %swap3A_598 {strides = array<i32>} : memref<8x768xf32, #tpu.memory_space<vmem>>, vector<1x16xf32>,
      %get3A_599 = arith.index_cast %scan3A_25 : i32 to index
      %get3A_600 = arith.constant 656 : index
      %get3A_601 = tpu.vector_load %arg7[%get3A_599, %get3A_600] {strides = array<i32>} : memref<8x768xf32, #tpu.memory_space<vmem>>, vector<1x16xf32>,
      %get3A_602 = vector.shape_cast %get3A_601 : vector<1x16xf32> to vector<16xf32>
      %get3A_603 = arith.index_cast %scan3A_25 : i32 to index
      %get3A_604 = arith.constant 656 : index
      %get3A_605 = tpu.vector_load %arg8[%get3A_603, %get3A_604] {strides = array<i32>} : memref<8x768xf32, #tpu.memory_space<vmem>>, vector<1x16xf32>,
      %get3A_606 = vector.shape_cast %get3A_605 : vector<1x16xf32> to vector<16xf32>
      %add3A_607 = arith.addf %get3A_602, %get3A_606 : vector<16xf32>
      %swap3A_608 = arith.index_cast %scan3A_25 : i32 to index
      %swap3A_609 = arith.constant 656 : index
      %swap3A_610 = tpu.vector_load %arg7[%swap3A_608, %swap3A_609] {strides = array<i32>} : memref<8x768xf32, #tpu.memory_space<vmem>>, vector<1x16xf32>,
      %swap3A_611 = vector.shape_cast %swap3A_610 : vector<1x16xf32> to vector<16xf32>
      %swap3A_612 = vector.shape_cast %add3A_607 : vector<16xf32> to vector<1x16xf32>
      tpu.vector_store %arg7[%swap3A_608, %swap3A_609], %swap3A_612 {strides = array<i32>} : memref<8x768xf32, #tpu.memory_space<vmem>>, vector<1x16xf32>,
      %get3A_613 = arith.index_cast %scan3A_25 : i32 to index
      %get3A_614 = arith.constant 672 : index
      %get3A_615 = tpu.vector_load %arg7[%get3A_613, %get3A_614] {strides = array<i32>} : memref<8x768xf32, #tpu.memory_space<vmem>>, vector<1x16xf32>,
      %get3A_616 = vector.shape_cast %get3A_615 : vector<1x16xf32> to vector<16xf32>
      %get3A_617 = arith.index_cast %scan3A_25 : i32 to index
      %get3A_618 = arith.constant 672 : index
      %get3A_619 = tpu.vector_load %arg8[%get3A_617, %get3A_618] {strides = array<i32>} : memref<8x768xf32, #tpu.memory_space<vmem>>, vector<1x16xf32>,
      %get3A_620 = vector.shape_cast %get3A_619 : vector<1x16xf32> to vector<16xf32>
      %add3A_621 = arith.addf %get3A_616, %get3A_620 : vector<16xf32>
      %swap3A_622 = arith.index_cast %scan3A_25 : i32 to index
      %swap3A_623 = arith.constant 672 : index
      %swap3A_624 = tpu.vector_load %arg7[%swap3A_622, %swap3A_623] {strides = array<i32>} : memref<8x768xf32, #tpu.memory_space<vmem>>, vector<1x16xf32>,
      %swap3A_625 = vector.shape_cast %swap3A_624 : vector<1x16xf32> to vector<16xf32>
      %swap3A_626 = vector.shape_cast %add3A_621 : vector<16xf32> to vector<1x16xf32>
      tpu.vector_store %arg7[%swap3A_622, %swap3A_623], %swap3A_626 {strides = array<i32>} : memref<8x768xf32, #tpu.memory_space<vmem>>, vector<1x16xf32>,
      %get3A_627 = arith.index_cast %scan3A_25 : i32 to index
      %get3A_628 = arith.constant 688 : index
      %get3A_629 = tpu.vector_load %arg7[%get3A_627, %get3A_628] {strides = array<i32>} : memref<8x768xf32, #tpu.memory_space<vmem>>, vector<1x16xf32>,
      %get3A_630 = vector.shape_cast %get3A_629 : vector<1x16xf32> to vector<16xf32>
      %get3A_631 = arith.index_cast %scan3A_25 : i32 to index
      %get3A_632 = arith.constant 688 : index
      %get3A_633 = tpu.vector_load %arg8[%get3A_631, %get3A_632] {strides = array<i32>} : memref<8x768xf32, #tpu.memory_space<vmem>>, vector<1x16xf32>,
      %get3A_634 = vector.shape_cast %get3A_633 : vector<1x16xf32> to vector<16xf32>
      %add3A_635 = arith.addf %get3A_630, %get3A_634 : vector<16xf32>
      %swap3A_636 = arith.index_cast %scan3A_25 : i32 to index
      %swap3A_637 = arith.constant 688 : index
      %swap3A_638 = tpu.vector_load %arg7[%swap3A_636, %swap3A_637] {strides = array<i32>} : memref<8x768xf32, #tpu.memory_space<vmem>>, vector<1x16xf32>,
      %swap3A_639 = vector.shape_cast %swap3A_638 : vector<1x16xf32> to vector<16xf32>
      %swap3A_640 = vector.shape_cast %add3A_635 : vector<16xf32> to vector<1x16xf32>
      tpu.vector_store %arg7[%swap3A_636, %swap3A_637], %swap3A_640 {strides = array<i32>} : memref<8x768xf32, #tpu.memory_space<vmem>>, vector<1x16xf32>,
      %get3A_641 = arith.index_cast %scan3A_25 : i32 to index
      %get3A_642 = arith.constant 704 : index
      %get3A_643 = tpu.vector_load %arg7[%get3A_641, %get3A_642] {strides = array<i32>} : memref<8x768xf32, #tpu.memory_space<vmem>>, vector<1x16xf32>,
      %get3A_644 = vector.shape_cast %get3A_643 : vector<1x16xf32> to vector<16xf32>
      %get3A_645 = arith.index_cast %scan3A_25 : i32 to index
      %get3A_646 = arith.constant 704 : index
      %get3A_647 = tpu.vector_load %arg8[%get3A_645, %get3A_646] {strides = array<i32>} : memref<8x768xf32, #tpu.memory_space<vmem>>, vector<1x16xf32>,
      %get3A_648 = vector.shape_cast %get3A_647 : vector<1x16xf32> to vector<16xf32>
      %add3A_649 = arith.addf %get3A_644, %get3A_648 : vector<16xf32>
      %swap3A_650 = arith.index_cast %scan3A_25 : i32 to index
      %swap3A_651 = arith.constant 704 : index
      %swap3A_652 = tpu.vector_load %arg7[%swap3A_650, %swap3A_651] {strides = array<i32>} : memref<8x768xf32, #tpu.memory_space<vmem>>, vector<1x16xf32>,
      %swap3A_653 = vector.shape_cast %swap3A_652 : vector<1x16xf32> to vector<16xf32>
      %swap3A_654 = vector.shape_cast %add3A_649 : vector<16xf32> to vector<1x16xf32>
      tpu.vector_store %arg7[%swap3A_650, %swap3A_651], %swap3A_654 {strides = array<i32>} : memref<8x768xf32, #tpu.memory_space<vmem>>, vector<1x16xf32>,
      %get3A_655 = arith.index_cast %scan3A_25 : i32 to index
      %get3A_656 = arith.constant 720 : index
      %get3A_657 = tpu.vector_load %arg7[%get3A_655, %get3A_656] {strides = array<i32>} : memref<8x768xf32, #tpu.memory_space<vmem>>, vector<1x16xf32>,
      %get3A_658 = vector.shape_cast %get3A_657 : vector<1x16xf32> to vector<16xf32>
      %get3A_659 = arith.index_cast %scan3A_25 : i32 to index
      %get3A_660 = arith.constant 720 : index
      %get3A_661 = tpu.vector_load %arg8[%get3A_659, %get3A_660] {strides = array<i32>} : memref<8x768xf32, #tpu.memory_space<vmem>>, vector<1x16xf32>,
      %get3A_662 = vector.shape_cast %get3A_661 : vector<1x16xf32> to vector<16xf32>
      %add3A_663 = arith.addf %get3A_658, %get3A_662 : vector<16xf32>
      %swap3A_664 = arith.index_cast %scan3A_25 : i32 to index
      %swap3A_665 = arith.constant 720 : index
      %swap3A_666 = tpu.vector_load %arg7[%swap3A_664, %swap3A_665] {strides = array<i32>} : memref<8x768xf32, #tpu.memory_space<vmem>>, vector<1x16xf32>,
      %swap3A_667 = vector.shape_cast %swap3A_666 : vector<1x16xf32> to vector<16xf32>
      %swap3A_668 = vector.shape_cast %add3A_663 : vector<16xf32> to vector<1x16xf32>
      tpu.vector_store %arg7[%swap3A_664, %swap3A_665], %swap3A_668 {strides = array<i32>} : memref<8x768xf32, #tpu.memory_space<vmem>>, vector<1x16xf32>,
      %get3A_669 = arith.index_cast %scan3A_25 : i32 to index
      %get3A_670 = arith.constant 736 : index
      %get3A_671 = tpu.vector_load %arg7[%get3A_669, %get3A_670] {strides = array<i32>} : memref<8x768xf32, #tpu.memory_space<vmem>>, vector<1x16xf32>,
      %get3A_672 = vector.shape_cast %get3A_671 : vector<1x16xf32> to vector<16xf32>
      %get3A_673 = arith.index_cast %scan3A_25 : i32 to index
      %get3A_674 = arith.constant 736 : index
      %get3A_675 = tpu.vector_load %arg8[%get3A_673, %get3A_674] {strides = array<i32>} : memref<8x768xf32, #tpu.memory_space<vmem>>, vector<1x16xf32>,
      %get3A_676 = vector.shape_cast %get3A_675 : vector<1x16xf32> to vector<16xf32>
      %add3A_677 = arith.addf %get3A_672, %get3A_676 : vector<16xf32>
      %swap3A_678 = arith.index_cast %scan3A_25 : i32 to index
      %swap3A_679 = arith.constant 736 : index
      %swap3A_680 = tpu.vector_load %arg7[%swap3A_678, %swap3A_679] {strides = array<i32>} : memref<8x768xf32, #tpu.memory_space<vmem>>, vector<1x16xf32>,
      %swap3A_681 = vector.shape_cast %swap3A_680 : vector<1x16xf32> to vector<16xf32>
      %swap3A_682 = vector.shape_cast %add3A_677 : vector<16xf32> to vector<1x16xf32>
      tpu.vector_store %arg7[%swap3A_678, %swap3A_679], %swap3A_682 {strides = array<i32>} : memref<8x768xf32, #tpu.memory_space<vmem>>, vector<1x16xf32>,
      %get3A_683 = arith.index_cast %scan3A_25 : i32 to index
      %get3A_684 = arith.constant 752 : index
      %get3A_685 = tpu.vector_load %arg7[%get3A_683, %get3A_684] {strides = array<i32>} : memref<8x768xf32, #tpu.memory_space<vmem>>, vector<1x16xf32>,
      %get3A_686 = vector.shape_cast %get3A_685 : vector<1x16xf32> to vector<16xf32>
      %get3A_687 = arith.index_cast %scan3A_25 : i32 to index
      %get3A_688 = arith.constant 752 : index
      %get3A_689 = tpu.vector_load %arg8[%get3A_687, %get3A_688] {strides = array<i32>} : memref<8x768xf32, #tpu.memory_space<vmem>>, vector<1x16xf32>,
      %get3A_690 = vector.shape_cast %get3A_689 : vector<1x16xf32> to vector<16xf32>
      %add3A_691 = arith.addf %get3A_686, %get3A_690 : vector<16xf32>
      %swap3A_692 = arith.index_cast %scan3A_25 : i32 to index
      %swap3A_693 = arith.constant 752 : index
      %swap3A_694 = tpu.vector_load %arg7[%swap3A_692, %swap3A_693] {strides = array<i32>} : memref<8x768xf32, #tpu.memory_space<vmem>>, vector<1x16xf32>,
      %swap3A_695 = vector.shape_cast %swap3A_694 : vector<1x16xf32> to vector<16xf32>
      %swap3A_696 = vector.shape_cast %add3A_691 : vector<16xf32> to vector<1x16xf32>
      tpu.vector_store %arg7[%swap3A_692, %swap3A_693], %swap3A_696 {strides = array<i32>} : memref<8x768xf32, #tpu.memory_space<vmem>>, vector<1x16xf32>,
      %scan3A_697 = arith.constant 0 : i32
      scf.yield %scan3A_697 : i32
    }
    %scan3A_22 = arith.constant 8 : i32
    %mul3A_23 = arith.constant 8 : i32
    %mul3A_24 = arith.muli %add3A, %mul3A_23 : i32
    "tpu.region"() ({
      %run_scoped3A = tpu.sem_alloc : memref<!tpu.dma_semaphore, #tpu.memory_space<semaphore_mem>>
      %dma_start3A_25 = arith.constant 0 : i32
      %dma_start3A_26 = tpu.memref_slice %arg5[%mul3A_24, %dma_start3A_25] : memref<128x768xf32, #tpu.memory_space<hbm>> -> memref<8x768xf32, #tpu.memory_space<hbm>>
      %dma_start3A_27 = arith.constant 0 : i32
      %dma_start3A_28 = tpu.memref_slice %arg5[%mul3A_24, %dma_start3A_27] : memref<128x768xf32, #tpu.memory_space<hbm>> -> memref<8x768xf32, #tpu.memory_space<hbm>>
      tpu.enqueue_dma source(%arg7 : memref<8x768xf32, #tpu.memory_space<vmem>>) target(%dma_start3A_28 : memref<8x768xf32, #tpu.memory_space<hbm>>) target_semaphore(%run_scoped3A : memref<!tpu.dma_semaphore, #tpu.memory_space<semaphore_mem>>)
      %dma_wait3A_29 = arith.constant 0 : i32
      %dma_wait3A_30 = tpu.memref_slice %arg5[%mul3A_24, %dma_wait3A_29] : memref<128x768xf32, #tpu.memory_space<hbm>> -> memref<8x768xf32, #tpu.memory_space<hbm>>
      %dma_wait3A_31 = arith.constant 0 : i32
      %dma_wait3A_32 = tpu.memref_slice %arg5[%mul3A_24, %dma_wait3A_31] : memref<128x768xf32, #tpu.memory_space<hbm>> -> memref<8x768xf32, #tpu.memory_space<hbm>>
      tpu.wait_dma2 semaphore(%run_scoped3A : memref<!tpu.dma_semaphore, #tpu.memory_space<semaphore_mem>>) src(%arg7 : memref<8x768xf32, #tpu.memory_space<vmem>>) dst(%dma_wait3A_32 : memref<8x768xf32, #tpu.memory_space<hbm>>)
      tpu.yield
    }) : () -> ()
    return
  }
}

module attributes {stable_mosaic.version = 14 : i64} {
  func.func @_tc_body(%arg0: i32, %arg1: memref<448x1xi32, #tpu.memory_space<vmem>>, %arg2: memref<576x768xf32, #tpu.memory_space<vmem>>, %arg3: memref<448x768xf32, #tpu.memory_space<vmem>>, %arg4: memref<448x768xf32, #tpu.memory_space<vmem>>) attributes {dimension_semantics = [#tpu.dimension_semantics<arbitrary>], iteration_bounds = array<i64: 1>, scalar_prefetch = 0 : i64, scratch_operands = 0 : i64, tpu.core_type = #tpu.core_type<tc>, window_params = [{pipeline_mode = #tpu.pipeline_mode<synchronous>, transform_indices = @transform_0, window_bounds = array<i64: 448, 1>}, {pipeline_mode = #tpu.pipeline_mode<synchronous>, transform_indices = @transform_1, window_bounds = array<i64: 576, 768>}, {transform_indices = @transform_2, window_bounds = array<i64: 448, 768>}, {pipeline_mode = #tpu.pipeline_mode<synchronous>, transform_indices = @transform_3, window_bounds = array<i64: 448, 768>}]} {
    %get3A = arith.constant 0 : index
    %get3A_0 = arith.constant 0 : index
    %get3A_1 = vector.load %arg1[%get3A, %get3A_0] : memref<448x1xi32, #tpu.memory_space<vmem>>, vector<448x1xi32>
    %iota3A = tpu.iota {dimensions = array<i32: 1>} : vector<448x576xi32>
    %eq3A = vector.broadcast %get3A_1 : vector<448x1xi32> to vector<448x576xi32>
    %eq3A_2 = arith.cmpi eq, %iota3A, %eq3A : vector<448x576xi32>
    %convert_element_type3A = arith.extui %eq3A_2 : vector<448x576xi1> to vector<448x576xi32>
    %convert_element_type3A_3 = arith.sitofp %convert_element_type3A : vector<448x576xi32> to vector<448x576xf32>
    %get3A_4 = arith.constant 0 : index
    %get3A_5 = arith.constant 0 : index
    %get3A_6 = vector.load %arg2[%get3A_4, %get3A_5] : memref<576x768xf32, #tpu.memory_space<vmem>>, vector<576x768xf32>
    %dot_general3A = arith.constant dense<0.000000e+00> : vector<448x768xf32>
    %dot_general3A_7 = tpu.matmul %convert_element_type3A_3, %get3A_6, %dot_general3A {dimension_numbers = #tpu.dot_dimension_numbers<[1], [0], [0], [1], [0, 0, 1, 1], [], []>, transpose_lhs_hint = false} : vector<448x576xf32>, vector<576x768xf32>, vector<448x768xf32> -> vector<448x768xf32>
    %get3A_8 = arith.constant 0 : index
    %get3A_9 = arith.constant 0 : index
    %get3A_10 = vector.load %arg3[%get3A_8, %get3A_9] : memref<448x768xf32, #tpu.memory_space<vmem>>, vector<448x768xf32>
    %add3A = arith.addf %dot_general3A_7, %get3A_10 : vector<448x768xf32>
    %swap3A = arith.constant 0 : index
    %swap3A_11 = arith.constant 0 : index
    %swap3A_12 = vector.load %arg4[%swap3A, %swap3A_11] : memref<448x768xf32, #tpu.memory_space<vmem>>, vector<448x768xf32>
    tpu.vector_store %arg4[%swap3A, %swap3A_11], %add3A {strides = array<i32>} : memref<448x768xf32, #tpu.memory_space<vmem>>, vector<448x768xf32>,
    return
  }
  func.func @transform_0(%arg0: i32) -> (i32, i32) {
    %c0_i32 = arith.constant 0 : i32
    %c0_i32_0 = arith.constant 0 : i32
    %c0_i32_1 = arith.constant 0 : i32
    return %c0_i32, %c0_i32_0 : i32, i32
  }
  func.func @transform_1(%arg0: i32) -> (i32, i32) {
    %c0_i32 = arith.constant 0 : i32
    %c0_i32_0 = arith.constant 0 : i32
    %c0_i32_1 = arith.constant 0 : i32
    return %c0_i32, %c0_i32_0 : i32, i32
  }
  func.func @transform_2(%arg0: i32) -> (i32, i32) {
    %c0_i32 = arith.constant 0 : i32
    %c0_i32_0 = arith.constant 0 : i32
    %c0_i32_1 = arith.constant 0 : i32
    return %c0_i32, %c0_i32_0 : i32, i32
  }
  func.func @transform_3(%arg0: i32) -> (i32, i32) {
    %c0_i32 = arith.constant 0 : i32
    %c0_i32_0 = arith.constant 0 : i32
    %c0_i32_1 = arith.constant 0 : i32
    return %c0_i32, %c0_i32_0 : i32, i32
  }
}

</mosaic_0001>

<sc_bundles>
// kernel: kernel.4.cloned.1.call-start
scs
__scs_entry_jumppad:
0x0: {  	(pc) =	sbr.rel $0x88, $3  }
0x1: {  	(tag) =	ssettag $0x0;
	lr =	simm.s32 $0x1  }
0x2: {  	[smem:$0x3F9E] =	sst lr;
	_ =	strace $0xD0000000  }
0x3: {  	_ = 	snop  }
0x4: {  	_ = 	snop  }
0x5: {  	_ = 	snop  }
0x6: {  	_ = 	snop  }
0x7: {  	_ = 	snop  }
__scs_overlays_trampoline_lowered:
0x8: {  	[smem:$0x3FAD] =	sst s0  }
0x9: {  	[smem:$0x3FAE] =	sst s1  }
0xa: {  	[smem:$0x3FAF] =	sst s2  }
0xb: {  	[smem:$0x3FB0] =	sst s3  }
0xc: {  	[smem:$0x3FB1] =	sst s4  }
0xd: {  	[smem:$0x3FB2] =	sst s5  }
0xe: {  	[smem:$0x3FB3] =	sst s6  }
0xf: {  	[smem:$0x3FB4] =	sst s7  }
0x10: {  	[smem:$0x3FB5] =	sst s8  }
0x11: {  	[smem:$0x3FB6] =	sst s9;
	s0 =	simm.s32 @!p0 $0x0  }
0x12: {  	s1 =	sld [smem:$0x3F9C];
	s0 =	simm.s32 @p0 $0x1  }
0x13: {  	[smem:$0x3FB7] =	sst s0;
	s0 =	simm.s32 @!p1 $0x0  }
0x14: {  	s2 =	sld [smem:$0x3F9B];
	s0 =	simm.s32 @p1 $0x1  }
0x15: {  	[smem:$0x3FB8] =	sst s0;
	s0 =	simm.s32 @!p2 $0x0  }
0x16: {  	s3 =	sld [smem:$0x3FDB];
	s0 =	simm.s32 @p2 $0x1  }
0x17: {  	s4 =	simm.s32 $0x1BF5;
	[smem:$0x3FBA] =	sst s0  }
0x18: {  	s0 =	sld [smem:$0x3F9D];
	_ =	swait.ge [sflag:s4], $0x0  }
0x19: {  	s7 =	sld [smem:$0x3F9E]  }
0x1a: {  	s8 =	sadd.s32 $0xFFFFE003, lr  }
0x1b: {  	s9 =	sadd.s32 $0xFFFFFEF7, lr;
	s5 =	simm.s32 $0xFFFFFFFF;
	p2 =	slt.u32 s8, $0xFFFFF086  }
0x1c: {  	p1 =	slt.u32 s9, $0xF7A;
	s5 =	simm.s32 @!p2 $0x0  }
0x1d: {  	s5 =	simm.s32 @p1 $0x1;
	p0 =	seq.s32 s7, s2  }
0x1e: {  	s7 =	smul.u32 @!p0 $0xF7A, s2;
	p2 =	seq.s32 @!p0 s5, $0x0  }
0x1f: {  	s9 =	smul.u32 $0xF7A, s1;
	s8 =	simm.s32 @!p0 $0x1BF5;
	p2 =	por !p2, p0  }
0x20: {  	[sflag:s8] =	ssyncset.s32 @!p0 $0xFFFFF086;
	s6 =	sadd.s32 @!p0 s3, s7;
	s7 =	simm.s32 @!p0 $0x108  }
0x21: {  	s3 =	sadd.s32 s3, s9;
	s6 =	sadd.s32 @!p0 $0x88, s6;
	s7 =	simm.s32 @p2 $0x1082  }
0x22: {  	[simem:s7], [sflag:s8] =	dma.local @!p0 [hbm:s6], $0xF7A  }
0x23: {  	s9 =	sor.u32 $0xD0000000, s2;
	s6 =	simm.s32 $0x108;
	_ =	swait.ge @!p0 [sflag:s8], $0x0  }
0x24: {  	s3 =	sadd.s32 $0x88, s3;
	s6 =	simm.s32 @!p1 $0x1082;
	[sflag:s4] =	ssyncset.s32 $0xFFFFF086  }
0x25: {  	[simem:s6], [sflag:s4] =	dma.local [hbm:s3], $0xF7A  }
0x26: {  	[smem:$0x3F9E] =	sst s1;
	(tag) =	ssettag s2;
	_ =	strace s9  }
0x27: {  	s1 =	sld [smem:$0x3FAE]  }
0x28: {  	s2 =	sld [smem:$0x3FAF]  }
0x29: {  	s4 =	sld [smem:$0x3FB1]  }
0x2a: {  	p0 =	seq.s32 s5, $0x0;
	s5 =	sld [smem:$0x3FB2]  }
0x2b: {  	s6 =	sld [smem:$0x3FB3]  }
0x2c: {  	s7 =	sld [smem:$0x3FB4]  }
0x2d: {  	s3 =	simm.s32 $0x108;
	s8 =	sld [smem:$0x3FB5]  }
0x2e: {  	s3 =	simm.s32 @!p0 $0x1082;
	s9 =	sld [smem:$0x3FB6]  }
0x2f: {  	lr =	sadd.s32 s0, s3;
	s0 =	sld [smem:$0x3FAD]  }
0x30: {  	s3 =	sld [smem:$0x3FB0]  }
0x31: {  	[smem:$0x3FB9] =	sst s10  }
0x32: {  	s10 =	sld [smem:$0x3FB7];
	_ =	sdelay $0x3  }
0x33: {  	p0 =	seq.s32 s10, $0x1;
	s10 =	sld [smem:$0x3FB9];
	_ =	sdelay $0x3  }
0x34: {  	[smem:$0x3FB9] =	sst s10  }
0x35: {  	s10 =	sld [smem:$0x3FB8];
	_ =	sdelay $0x3  }
0x36: {  	p1 =	seq.s32 s10, $0x1;
	s10 =	sld [smem:$0x3FB9];
	_ =	sdelay $0x3  }
0x37: {  	[smem:$0x3FB9] =	sst s10  }
0x38: {  	s10 =	sld [smem:$0x3FBA]  }
0x39: {  	_ = 	snop;
	(pc) =	sbr.ind lr, $3  }
0x3a: {  	_ = 	snop  }
0x3b: {  	_ = 	snop  }
0x3c: {  	p2 =	seq.s32 s10, $0x1;
	s10 =	sld [smem:$0x3FB9]  }
0x3d: {  	_ =	shalt  }
0x3e: {  	_ =	shalt  }
0x3f: {  	_ =	shalt  }
0x40: {  	_ =	shalt  }
0x41: {  	_ =	shalt  }
0x42: {  	_ =	shalt  }
0x43: {  	_ =	shalt  }
0x44: {  	_ =	shalt  }
0x45: {  	_ =	shalt  }
0x46: {  	_ =	shalt  }
0x47: {  	_ =	shalt  }
0x48: {  	_ =	shalt  }
0x49: {  	_ =	shalt  }
0x4a: {  	_ =	shalt  }
0x4b: {  	_ =	shalt  }
0x4c: {  	_ =	shalt  }
0x4d: {  	_ =	shalt  }
0x4e: {  	_ =	shalt  }
0x4f: {  	_ =	shalt  }
0x50: {  	_ =	shalt  }
0x51: {  	_ =	shalt  }
0x52: {  	_ =	shalt  }
0x53: {  	_ =	shalt  }
0x54: {  	_ =	shalt  }
0x55: {  	_ =	shalt  }
0x56: {  	_ =	shalt  }
0x57: {  	_ =	shalt  }
0x58: {  	_ =	shalt  }
0x59: {  	_ =	shalt  }
0x5a: {  	_ =	shalt  }
0x5b: {  	_ =	shalt  }
0x5c: {  	_ =	shalt  }
0x5d: {  	_ =	shalt  }
0x5e: {  	_ =	shalt  }
0x5f: {  	_ =	shalt  }
0x60: {  	_ =	shalt  }
0x61: {  	_ =	shalt  }
0x62: {  	_ =	shalt  }
0x63: {  	_ =	shalt  }
0x64: {  	_ =	shalt  }
0x65: {  	_ =	shalt  }
0x66: {  	_ =	shalt  }
0x67: {  	_ =	shalt  }
0x68: {  	_ =	shalt  }
0x69: {  	_ =	shalt  }
0x6a: {  	_ =	shalt  }
0x6b: {  	_ =	shalt  }
0x6c: {  	_ =	shalt  }
0x6d: {  	_ =	shalt  }
0x6e: {  	_ =	shalt  }
0x6f: {  	_ =	shalt  }
0x70: {  	_ =	shalt  }
0x71: {  	_ =	shalt  }
0x72: {  	_ =	shalt  }
0x73: {  	_ =	shalt  }
0x74: {  	_ =	shalt  }
0x75: {  	_ =	shalt  }
0x76: {  	_ =	shalt  }
0x77: {  	_ =	shalt  }
0x78: {  	_ =	shalt  }
0x79: {  	_ =	shalt  }
0x7a: {  	_ =	shalt  }
0x7b: {  	_ =	shalt  }
0x7c: {  	_ =	shalt  }
0x7d: {  	_ =	shalt  }
0x7e: {  	_ =	shalt  }
0x7f: {  	_ =	shalt  }
0x80: {  	_ =	shalt  }
0x81: {  	_ =	shalt  }
0x82: {  	_ =	shalt  }
0x83: {  	_ =	shalt  }
0x84: {  	_ =	shalt  }
0x85: {  	_ =	shalt  }
0x86: {  	_ =	shalt  }
0x87: {  	_ =	shalt  }
.Lfunc_end0:
.L_simem_size_0:
called_computation_lowered:
.L_overlay_start_0:
0x88: {  	s0 =	sld [smem:$0x3FD9]  }
0x89: {  	s1 =	sld [smem:$0x3FFE];
	_ =	sdelay $0x3  }
0x8a: {  	s0 =	sadd.s32 s1, s0  }
0x8b: {  	[smem:$0x3FC5] =	sst s0  }
0x8c: {  	_ = 	snop  }
0x8d: {  	s0 =	sld [smem:$0x3FC9]  }
0x8e: {  	s16 =	sld [smem:$0x3FC8]  }
0x8f: {  	s2 =	sld [smem:$0x3FC7];
	(tm) =	ssettm $0x1  }
0x90: {  	s3 =	sld [smem:$0x3FFB];
	_ =	sdelay $0x3  }
0x91: {  	_ =	strace s3  }
0x92: {  	s3 =	sld [smem:$0x3FFC];
	_ =	sdelay $0x3  }
0x93: {  	_ =	strace s3  }
0x94: {  	s3 =	sld [smem:$0x3FFD];
	_ =	sdelay $0x3  }
0x95: {  	_ =	strace s3  }
0x96: {  	_ =	strace $0x8FFFFFFF  }
0x97: {  	s17 =	sld [smem:$0x3FDB];
	_ =	sdelay $0x1  }
0x98: {  	s4 =	simm.s32 $_scs_section_size  }
0x99: {  	s5 =	simm.s32 $_size__tile_overlayer_lowered;
	s6 =	simm.s32 $_tile_overlayer_lowered  }
0x9a: {  	s20 =	simm.s32 $0x1BFF;
	s19 =	sshll.u32 s6, $0x1;
	s3 =	sadd.s32 s4, s17  }
0x9b: {  	s7 =	simm.s32 $0x0;
	s18 =	sshll.u32 s5, $0x1;
	s5 =	sadd.s32 s19, s3  }
0x9c: {  	[timem:s7], [sflag:s20] =	dma.local [hbm:s5], s18  }
0x9d: {  	_ =	swait.ge [sflag:s20], s18  }
0x9e: {  	s4 =	ssub.s32 $0x0, s18;
	[sflag:s20] =	ssyncset.done $0x0  }
0x9f: {  	[sflag:s20] =	ssyncadd.s32 s4;
	_ =	sdelay $0x1  }
0xa0: {  	s21 =	simm.s32 $0x1B8B  }
0xa1: {  	_ =	swait.ge [sflag:s21], $0x1  }
0xa2: {  	[sflag:s21] =	ssyncset.done $0x0  }
0xa3: {  	s23 =	simm.s32 $0x1B8E;
	s22 =	sld [smem:$0x3FFE];
	[sflag:s21] =	ssyncadd.s32 $0xFFFFFFFF  }
0xa4: {  	s24 =	simm.s32 $execute0_lowered;
	[smem:$0x3FD2] =	sst s23  }
0xa5: {  	s5 =	sshll.u32 s24, $0x1;
	_ =	strace $0x80000046;
	[dreg:$0x1] =	wrdreg $0xFFFFFFFF  }
0xa6: {  	s25 =	simm.s32 $_size_execute0_lowered;
	s3 =	sadd.s32 s3, s5;
	[dreg:$0x0] =	wrdreg $0x0  }
0xa7: {  	s5 =	sshll.u32 s25, $0x1;
	[dreg:$0x2] =	wrdreg s3  }
0xa8: {  	[dreg:$0x3] =	wrdreg s5  }
0xa9: {  	[dreg:$0x4] =	wrdreg $0xC0  }
0xaa: {  	_ =	task [dreg:s7], $0x5FFFF  }
0xab: {  	[dreg:$0x1] =	wrdreg $0xFFFFFFFF  }
0xac: {  	[dreg:$0x0] =	wrdreg $0x60  }
0xad: {  	[dreg:$0x2] =	wrdreg s0  }
0xae: {  	[dreg:$0x3] =	wrdreg s16  }
0xaf: {  	[dreg:$0x4] =	wrdreg s2  }
0xb0: {  	[dreg:$0x5] =	wrdreg s22  }
0xb1: {  	[dreg:$0x6] =	wrdreg $0x9  }
0xb2: {  	_ =	task.clear_ibuf [dreg:s7], $0x7FFFF;
	_ =	strace $0x90000046  }
0xb3: {  	s26 =	simm.s32 $0x9;
	_ =	strace $0x80000048  }
0xb4: {  	_ =	swait.ge [sflag:s26], $0x1  }
0xb5: {  	[sflag:s26] =	ssyncadd.s32 $0xFFFFFFFF  }
0xb6: {  	_ =	strace $0x90000048  }
0xb7: {  	_ =	sfence  }
0xb8: {  	s28 =	sld [smem:$0x0];
	_ =	sdelay $0x1  }
0xb9: {  	s29 =	srdreg.scid  }
0xba: {  	s30 =	sshll.u32 s29, $0xD;
	s31 =	sshrl.u32 s29, $0x2  }
0xbb: {  	s1 =	sand.u32 $0x1, s29;
	s2 =	sand.u32 $0x4000, s30;
	s0 =	sadd.s32 s31, s28  }
0xbc: {  	s1 =	sor.u32 s2, s1;
	s0 =	sshll.u32 s0, $0x11  }
0xbd: {  	s0 =	sor.u32 s0, s1  }
0xbe: {  	s0 =	sadd.s32 $0x8F2B, s0  }
0xbf: {  	[sflag:s0] =	ssyncadd.remote.s32 $0x1  }
0xc0: {  	_ =	sfence.sel $0xFFFF  }
0xc1: {  	[dreg:$0x0] =	wrdreg $0xFFFFFFFF;
	(pc) =	sbr.abs _section_cstart, $3  }
0xc2: {  	[dreg:$0x1] =	wrdreg $0xFFFFFFFF  }
0xc3: {  	_ =	task.clear_ibuf [dreg:s7], $0x2FFFF;
	_ =	strace $0x9FFFFFFF  }
0xc4: {  	(tm) =	ssettm $0x7FFFFFFF  }
0xc5: {  	_ =	shalt  }
tec
execute0_lowered:
.L_overlay_start_1:
0x0: {  	(tag) =	ssettag $0x1  }
0x1: {  	s2 =	rddreg [dreg:$0x0]  }
0x2: {  	s4 =	rddreg [dreg:$0x1]  }
0x3: {  	s5 =	rddreg [dreg:$0x2]  }
0x4: {  	s3 =	rddreg [dreg:$0x3]  }
0x5: {  	s0 =	rddreg [dreg:$0x4];
	s6 =	simm.s32 $0x0;
	s1 =	stileid.u32  }
0x6: {  	[smem:$0x7FF] =	sst s6;
	s7 =	sadd.s32 $0x38, s1  }
0x7: {  	s21 =	simm.s32 $0x3;
	_ =	strace $0x80000047;
	s2 =	sadd.s32 s2, s7  }
0x8: {  	[tilespmem:s6], [sflag:$0x3] =	stream.linear.gather [hbm4b:s2+s6], $0x8, $0x38;
	[tilespmem:$0x3080] =	vst v63  }
0x9: {  	_ =	swait.ge [sflag:s21], $0x8  }
0xa: {  	[sflag:s21] =	ssyncset.done $0x0  }
0xb: {  	[sflag:s21] =	ssyncadd.s32 $0xFFFFFFF8  }
0xc: {  	v0 =	vld.msk [tilespmem:$0x0], $0xff;
	_ =	sdelay $0x4  }
0xd: {  	v1 =	vshrl.u32 v0, $0x3  }
0xe: {  	v1 =	vmul.u32 $0x30, v1  }
0xf: {  	v2 =	vlaneseq.u32;
	v0 =	vand.u32 $0x7, v0  }
0x10: {  	v0 =	vor.u32 v0, v1;
	v1 =	vand.u32 $0x7, v2;
	v2 =	vshrl.u32 v2, $0x3  }
0x11: {  	v0 =	vperm.xlane v0, v1;
	v1 =	vmul.u32 $0x8, v2;
	_ =	sdelay $0x1  }
0x12: {  	v0 =	vadd.s32 v1, v0;
	_ =	sdelay $0x3  }
0x13: {  	vm0 =	vmmov $0xffff;
	s22 =	simm.s32 $0x80  }
0x14: {  	[tilespmem:s22], [sflag:$0x1] =	stream.indirect_vreg.gather [hbm4b:s4+s6], $0x80, v0, vm0, $0xb8;
	[tilespmem:$0x3080] =	vst v63  }
0x15: {  	s8 =	simm.s32 $0x880;
	s23 =	sadd.s32 $0x100, s4  }
0x16: {  	[tilespmem:s8], [sflag:$0x1] =	stream.indirect_vreg.gather [hbm4b:s23+s6], $0x80, v0, vm0, $0xb8;
	[tilespmem:$0x3080] =	vst v63  }
0x17: {  	s26 =	simm.s32 $0x1080;
	s24 =	sadd.s32 $0x200, s4;
	s25 =	smul.u32 $0x300, s7  }
0x18: {  	[tilespmem:s26], [sflag:$0x1] =	stream.indirect_vreg.gather [hbm4b:s24+s6], $0x80, v0, vm0, $0xb8;
	[tilespmem:$0x3080] =	vst v63  }
0x19: {  	s29 =	simm.s32 $0x1880;
	s30 =	simm.s32 $0x1;
	s28 =	sadd.s32 s5, s25  }
0x1a: {  	[tilespmem:s29], [sflag:$0x2] =	stream.linear.gather [hbm4b:s28+s6], $0x1800, $0x38;
	[tilespmem:$0x3080] =	vst v63  }
0x1b: {  	_ =	swait.ge [sflag:s30], $0x1800  }
0x1c: {  	[sflag:s30] =	ssyncset.done $0x0  }
0x1d: {  	s31 =	simm.s32 $0x2;
	[sflag:s30] =	ssyncadd.s32 $0xFFFFE800  }
0x1e: {  	_ =	swait.ge [sflag:s31], $0x1800  }
0x1f: {  	[sflag:s31] =	ssyncset.done $0x0  }
0x20: {  	s2 =	simm.s32 $0x0;
	[sflag:s31] =	ssyncadd.s32 $0xFFFFE800  }
0x21: {  	v10 =	vld [tilespmem:s2+$0x1880]  }
0x22: {  	v11 =	vld [tilespmem:s2+$0x1890]  }
0x23: {  	v12 =	vld [tilespmem:s2+$0x18A0]  }
0x24: {  	v13 =	vld [tilespmem:s2+$0x18B0]  }
0x25: {  	v14 =	vld [tilespmem:s2+$0x18C0]  }
0x26: {  	v15 =	vld [tilespmem:s2+$0x18D0]  }
0x27: {  	v16 =	vld [tilespmem:s2+$0x18E0]  }
0x28: {  	v17 =	vld [tilespmem:s2+$0x18F0]  }
0x29: {  	v18 =	vld [tilespmem:s2+$0x1C80]  }
0x2a: {  	v19 =	vld [tilespmem:s2+$0x1C90]  }
0x2b: {  	v20 =	vld [tilespmem:s2+$0x1CA0]  }
0x2c: {  	v21 =	vld [tilespmem:s2+$0x1CB0]  }
0x2d: {  	v22 =	vld [tilespmem:s2+$0x1CC0]  }
0x2e: {  	v23 =	vld [tilespmem:s2+$0x1CD0]  }
0x2f: {  	v24 =	vld [tilespmem:s2+$0x1CE0]  }
0x30: {  	v25 =	vld [tilespmem:s2+$0x1CF0]  }
0x31: {  	v26 =	vld [tilespmem:s2+$0x2080]  }
0x32: {  	v27 =	vld [tilespmem:s2+$0x2090]  }
0x33: {  	v28 =	vld [tilespmem:s2+$0x20A0]  }
0x34: {  	v29 =	vld [tilespmem:s2+$0x20B0]  }
0x35: {  	v30 =	vld [tilespmem:s2+$0x20C0]  }
0x36: {  	v31 =	vld [tilespmem:s2+$0x20D0]  }
0x37: {  	v32 =	vld [tilespmem:s2+$0x20E0]  }
0x38: {  	v33 =	vld [tilespmem:s2+$0x20F0]  }
0x39: {  	v34 =	vld [tilespmem:s2+$0x2480]  }
0x3a: {  	v35 =	vld [tilespmem:s2+$0x2490]  }
0x3b: {  	v36 =	vld [tilespmem:s2+$0x24A0]  }
0x3c: {  	v37 =	vld [tilespmem:s2+$0x24B0]  }
0x3d: {  	v38 =	vld [tilespmem:s2+$0x24C0]  }
0x3e: {  	v39 =	vld [tilespmem:s2+$0x24D0]  }
0x3f: {  	v40 =	vld [tilespmem:s2+$0x24E0]  }
0x40: {  	v41 =	vld [tilespmem:s2+$0x24F0]  }
0x41: {  	v42 =	vld [tilespmem:s2+$0x2880]  }
0x42: {  	v43 =	vld [tilespmem:s2+$0x2890]  }
0x43: {  	v44 =	vld [tilespmem:s2+$0x28A0]  }
0x44: {  	v45 =	vld [tilespmem:s2+$0x28B0]  }
0x45: {  	v46 =	vld [tilespmem:s2+$0x28C0]  }
0x46: {  	v47 =	vld [tilespmem:s2+$0x28D0]  }
0x47: {  	v9 =	vld [tilespmem:s2+$0x28E0]  }
0x48: {  	v8 =	vld [tilespmem:s2+$0x28F0]  }
0x49: {  	v6 =	vld [tilespmem:s2+$0x2C80]  }
0x4a: {  	v7 =	vld [tilespmem:s2+$0x2C90]  }
0x4b: {  	v5 =	vld [tilespmem:s2+$0x2CA0]  }
0x4c: {  	v4 =	vld [tilespmem:s2+$0x2CB0]  }
0x4d: {  	v3 =	vld [tilespmem:s2+$0x2CC0]  }
0x4e: {  	v2 =	vld [tilespmem:s2+$0x2CD0]  }
0x4f: {  	v1 =	vld [tilespmem:s2+$0x2CE0]  }
0x50: {  	v0 =	vld [tilespmem:s2+$0x2CF0]  }
0x51: {  	v48 =	vld [tilespmem:s2+$0x80]  }
0x52: {  	v50 =	vld [tilespmem:s2+$0xA0]  }
0x53: {  	v49 =	vld [tilespmem:s2+$0x90]  }
0x54: {  	v52 =	vld [tilespmem:s2+$0xC0]  }
0x55: {  	v51 =	vld [tilespmem:s2+$0xB0]  }
0x56: {  	v57 =	vld [tilespmem:s2+$0xD0];
	v10 =	vadd.f32 v10, v48  }
0x57: {  	v53 =	vld [tilespmem:s2+$0xE0];
	v12 =	vadd.f32 v12, v50  }
0x58: {  	v11 =	vadd.f32 v11, v49;
	[tilespmem:s2+$0x80] =	vst v10;
	v10 =	vld [tilespmem:s2+$0xF0]  }
0x59: {  	v14 =	vadd.f32 v14, v52;
	[tilespmem:s2+$0xA0] =	vst v12;
	v12 =	vld [tilespmem:s2+$0x490]  }
0x5a: {  	v13 =	vadd.f32 v13, v51;
	[tilespmem:s2+$0x90] =	vst v11;
	v11 =	vld [tilespmem:s2+$0x480]  }
0x5b: {  	v15 =	vadd.f32 v15, v57;
	[tilespmem:s2+$0xC0] =	vst v14;
	v14 =	vld [tilespmem:s2+$0x4B0]  }
0x5c: {  	v16 =	vadd.f32 v16, v53;
	[tilespmem:s2+$0xB0] =	vst v13;
	v13 =	vld [tilespmem:s2+$0x4A0]  }
0x5d: {  	[tilespmem:s2+$0xD0] =	vst v15;
	v15 =	vld [tilespmem:s2+$0x4C0];
	v10 =	vadd.f32 v17, v10  }
0x5e: {  	v58 =	vld [tilespmem:s2+$0x4D0];
	[tilespmem:s2+$0xE0] =	vst v16;
	v12 =	vadd.f32 v19, v12  }
0x5f: {  	v11 =	vadd.f32 v18, v11;
	[tilespmem:s2+$0xF0] =	vst v10;
	v10 =	vld [tilespmem:s2+$0x4E0]  }
0x60: {  	v14 =	vadd.f32 v21, v14;
	[tilespmem:s2+$0x490] =	vst v12;
	v12 =	vld [tilespmem:s2+$0x880]  }
0x61: {  	v13 =	vadd.f32 v20, v13;
	[tilespmem:s2+$0x480] =	vst v11;
	v11 =	vld [tilespmem:s2+$0x4F0]  }
0x62: {  	v15 =	vadd.f32 v22, v15;
	[tilespmem:s2+$0x4B0] =	vst v14;
	v14 =	vld [tilespmem:s2+$0x8A0]  }
0x63: {  	v16 =	vadd.f32 v23, v58;
	[tilespmem:s2+$0x4A0] =	vst v13;
	v13 =	vld [tilespmem:s2+$0x890]  }
0x64: {  	[tilespmem:s2+$0x4C0] =	vst v15;
	v15 =	vld [tilespmem:s2+$0x8B0];
	v10 =	vadd.f32 v24, v10  }
0x65: {  	v59 =	vld [tilespmem:s2+$0x8C0];
	[tilespmem:s2+$0x4D0] =	vst v16;
	v12 =	vadd.f32 v26, v12  }
0x66: {  	v11 =	vadd.f32 v25, v11;
	[tilespmem:s2+$0x4E0] =	vst v10;
	v10 =	vld [tilespmem:s2+$0x8D0]  }
0x67: {  	v14 =	vadd.f32 v28, v14;
	[tilespmem:s2+$0x880] =	vst v12;
	v12 =	vld [tilespmem:s2+$0x8F0]  }
0x68: {  	v13 =	vadd.f32 v27, v13;
	[tilespmem:s2+$0x4F0] =	vst v11;
	v11 =	vld [tilespmem:s2+$0x8E0]  }
0x69: {  	v15 =	vadd.f32 v29, v15;
	[tilespmem:s2+$0x8A0] =	vst v14;
	v14 =	vld [tilespmem:s2+$0xC90]  }
0x6a: {  	v16 =	vadd.f32 v30, v59;
	[tilespmem:s2+$0x890] =	vst v13;
	v13 =	vld [tilespmem:s2+$0xC80]  }
0x6b: {  	[tilespmem:s2+$0x8B0] =	vst v15;
	v15 =	vld [tilespmem:s2+$0xCA0];
	v10 =	vadd.f32 v31, v10  }
0x6c: {  	v60 =	vld [tilespmem:s2+$0xCB0];
	[tilespmem:s2+$0x8C0] =	vst v16;
	v12 =	vadd.f32 v33, v12  }
0x6d: {  	v11 =	vadd.f32 v32, v11;
	[tilespmem:s2+$0x8D0] =	vst v10;
	v10 =	vld [tilespmem:s2+$0xCC0]  }
0x6e: {  	v14 =	vadd.f32 v35, v14;
	[tilespmem:s2+$0x8F0] =	vst v12;
	v12 =	vld [tilespmem:s2+$0xCE0]  }
0x6f: {  	v13 =	vadd.f32 v34, v13;
	[tilespmem:s2+$0x8E0] =	vst v11;
	v11 =	vld [tilespmem:s2+$0xCD0]  }
0x70: {  	v15 =	vadd.f32 v36, v15;
	[tilespmem:s2+$0xC90] =	vst v14;
	v14 =	vld [tilespmem:s2+$0x1080]  }
0x71: {  	v16 =	vadd.f32 v37, v60;
	[tilespmem:s2+$0xC80] =	vst v13;
	v13 =	vld [tilespmem:s2+$0xCF0]  }
0x72: {  	[tilespmem:s2+$0xCA0] =	vst v15;
	v15 =	vld [tilespmem:s2+$0x1090];
	v10 =	vadd.f32 v38, v10  }
0x73: {  	v61 =	vld [tilespmem:s2+$0x10A0];
	[tilespmem:s2+$0xCB0] =	vst v16;
	v12 =	vadd.f32 v40, v12  }
0x74: {  	v11 =	vadd.f32 v39, v11;
	[tilespmem:s2+$0xCC0] =	vst v10;
	v10 =	vld [tilespmem:s2+$0x10B0]  }
0x75: {  	v14 =	vadd.f32 v42, v14;
	[tilespmem:s2+$0xCE0] =	vst v12;
	v12 =	vld [tilespmem:s2+$0x10D0]  }
0x76: {  	v13 =	vadd.f32 v41, v13;
	[tilespmem:s2+$0xCD0] =	vst v11;
	v11 =	vld [tilespmem:s2+$0x10C0]  }
0x77: {  	v15 =	vadd.f32 v43, v15;
	[tilespmem:s2+$0x1080] =	vst v14;
	v14 =	vld [tilespmem:s2+$0x10F0]  }
0x78: {  	v16 =	vadd.f32 v44, v61;
	[tilespmem:s2+$0xCF0] =	vst v13;
	v13 =	vld [tilespmem:s2+$0x10E0]  }
0x79: {  	[tilespmem:s2+$0x1090] =	vst v15;
	v15 =	vld [tilespmem:s2+$0x1480];
	v10 =	vadd.f32 v45, v10  }
0x7a: {  	v62 =	vld [tilespmem:s2+$0x1490];
	[tilespmem:s2+$0x10A0] =	vst v16;
	v12 =	vadd.f32 v47, v12  }
0x7b: {  	v63 =	vadd.f32 v46, v11;
	v11 =	vld [tilespmem:s2+$0x14A0];
	[tilespmem:s2+$0x10B0] =	vst v10  }
0x7c: {  	v10 =	vld [tilespmem:s2+$0x14B0];
	[tilespmem:s2+$0x10D0] =	vst v12;
	v12 =	vadd.f32 v8, v14  }
0x7d: {  	v13 =	vadd.f32 v9, v13;
	v9 =	vld [tilespmem:s2+$0x14C0];
	[tilespmem:s2+$0x10C0] =	vst v63  }
0x7e: {  	v8 =	vld [tilespmem:s2+$0x14D0];
	[tilespmem:s2+$0x10F0] =	vst v12;
	v12 =	vadd.f32 v6, v15  }
0x7f: {  	s3 =	sadd.s32 $0xA00, s3;
	s4 =	simm.s32 $0x200;
	v7 =	vadd.f32 v7, v62;
	[tilespmem:s2+$0x10E0] =	vst v13;
	v6 =	vld [tilespmem:s2+$0x14E0]  }
.LBB2_1:
0x80: {  	s5 =	sshra.s32 s4, $0x2;
	p0 =	sne.s32 s4, $0xE00;
	[tilespmem:s2+$0x1480] =	vst v12;
	v5 =	vadd.f32 v5, v11;
	v11 =	vld [tilespmem:s2+$0x14F0]  }
0x81: {  	v36 =	vld [tilespmem:s5+$0x1880];
	[tilespmem:s2+$0x1490] =	vst v7;
	v4 =	vadd.f32 v4, v10  }
0x82: {  	v37 =	vld [tilespmem:s5+$0x1890];
	[tilespmem:s2+$0x14A0] =	vst v5;
	v3 =	vadd.f32 v3, v9  }
0x83: {  	v38 =	vld [tilespmem:s5+$0x18A0];
	[tilespmem:s2+$0x14B0] =	vst v4;
	v2 =	vadd.f32 v2, v8  }
0x84: {  	v39 =	vld [tilespmem:s5+$0x18B0];
	[tilespmem:s2+$0x14C0] =	vst v3;
	v1 =	vadd.f32 v1, v6  }
0x85: {  	v40 =	vld [tilespmem:s5+$0x18C0];
	[tilespmem:s2+$0x14D0] =	vst v2;
	v0 =	vadd.f32 v0, v11  }
0x86: {  	v41 =	vld [tilespmem:s5+$0x18D0];
	[tilespmem:s2+$0x14E0] =	vst v1  }
0x87: {  	v42 =	vld [tilespmem:s5+$0x18E0];
	[tilespmem:s2+$0x14F0] =	vst v0;
	s2 =	smov.u32 s5  }
0x88: {  	v43 =	vld [tilespmem:s2+$0x18F0]  }
0x89: {  	v44 =	vld [tilespmem:s2+$0x1C80]  }
0x8a: {  	v45 =	vld [tilespmem:s2+$0x1C90]  }
0x8b: {  	v46 =	vld [tilespmem:s2+$0x1CA0]  }
0x8c: {  	v47 =	vld [tilespmem:s2+$0x1CB0]  }
0x8d: {  	v35 =	vld [tilespmem:s2+$0x1CC0]  }
0x8e: {  	v34 =	vld [tilespmem:s2+$0x1CD0]  }
0x8f: {  	v33 =	vld [tilespmem:s2+$0x1CE0]  }
0x90: {  	v32 =	vld [tilespmem:s2+$0x1CF0]  }
0x91: {  	v31 =	vld [tilespmem:s2+$0x2080]  }
0x92: {  	v30 =	vld [tilespmem:s2+$0x2090]  }
0x93: {  	v29 =	vld [tilespmem:s2+$0x20A0]  }
0x94: {  	v28 =	vld [tilespmem:s2+$0x20B0]  }
0x95: {  	v27 =	vld [tilespmem:s2+$0x20C0]  }
0x96: {  	v26 =	vld [tilespmem:s2+$0x20D0]  }
0x97: {  	v25 =	vld [tilespmem:s2+$0x20E0]  }
0x98: {  	v24 =	vld [tilespmem:s2+$0x20F0]  }
0x99: {  	v23 =	vld [tilespmem:s2+$0x2480]  }
0x9a: {  	v22 =	vld [tilespmem:s2+$0x2490]  }
0x9b: {  	v21 =	vld [tilespmem:s2+$0x24A0]  }
0x9c: {  	v20 =	vld [tilespmem:s2+$0x24B0]  }
0x9d: {  	v19 =	vld [tilespmem:s2+$0x24C0]  }
0x9e: {  	v18 =	vld [tilespmem:s2+$0x24D0]  }
0x9f: {  	v17 =	vld [tilespmem:s2+$0x24E0]  }
0xa0: {  	v16 =	vld [tilespmem:s2+$0x24F0]  }
0xa1: {  	v15 =	vld [tilespmem:s2+$0x2880]  }
0xa2: {  	v14 =	vld [tilespmem:s2+$0x2890]  }
0xa3: {  	v13 =	vld [tilespmem:s2+$0x28A0]  }
0xa4: {  	v12 =	vld [tilespmem:s2+$0x28B0]  }
0xa5: {  	v11 =	vld [tilespmem:s2+$0x28C0]  }
0xa6: {  	v10 =	vld [tilespmem:s2+$0x28D0]  }
0xa7: {  	v9 =	vld [tilespmem:s2+$0x28E0]  }
0xa8: {  	v8 =	vld [tilespmem:s2+$0x28F0]  }
0xa9: {  	v7 =	vld [tilespmem:s2+$0x2C80]  }
0xaa: {  	v6 =	vld [tilespmem:s2+$0x2C90]  }
0xab: {  	v5 =	vld [tilespmem:s2+$0x2CA0]  }
0xac: {  	v4 =	vld [tilespmem:s2+$0x2CB0]  }
0xad: {  	v3 =	vld [tilespmem:s2+$0x2CC0]  }
0xae: {  	v2 =	vld [tilespmem:s2+$0x2CD0]  }
0xaf: {  	v1 =	vld [tilespmem:s2+$0x2CE0]  }
0xb0: {  	v0 =	vld [tilespmem:s2+$0x2CF0]  }
0xb1: {  	v48 =	vld [tilespmem:s2+$0x80]  }
0xb2: {  	v49 =	vld [tilespmem:s2+$0x90]  }
0xb3: {  	v50 =	vld [tilespmem:s2+$0xA0]  }
0xb4: {  	v51 =	vld [tilespmem:s2+$0xB0]  }
0xb5: {  	v52 =	vld [tilespmem:s2+$0xC0]  }
0xb6: {  	v36 =	vadd.f32 v36, v48;
	v48 =	vld [tilespmem:s2+$0xD0]  }
0xb7: {  	v37 =	vadd.f32 v37, v49;
	v49 =	vld [tilespmem:s2+$0xE0]  }
0xb8: {  	[tilespmem:s2+$0x80] =	vst v36;
	v36 =	vadd.f32 v38, v50;
	v38 =	vld [tilespmem:s2+$0xF0]  }
0xb9: {  	[tilespmem:s2+$0x90] =	vst v37;
	v37 =	vadd.f32 v39, v51;
	v39 =	vld [tilespmem:s2+$0x480]  }
0xba: {  	[tilespmem:s2+$0xA0] =	vst v36;
	v36 =	vadd.f32 v40, v52;
	v40 =	vld [tilespmem:s2+$0x490]  }
0xbb: {  	[tilespmem:s2+$0xB0] =	vst v37;
	v37 =	vadd.f32 v41, v48;
	v41 =	vld [tilespmem:s2+$0x4A0]  }
0xbc: {  	[tilespmem:s2+$0xC0] =	vst v36;
	v36 =	vadd.f32 v42, v49;
	v42 =	vld [tilespmem:s2+$0x4B0]  }
0xbd: {  	[tilespmem:s2+$0xD0] =	vst v37;
	v37 =	vadd.f32 v43, v38;
	v38 =	vld [tilespmem:s2+$0x4C0]  }
0xbe: {  	[tilespmem:s2+$0xE0] =	vst v36;
	v36 =	vadd.f32 v44, v39;
	v39 =	vld [tilespmem:s2+$0x4D0]  }
0xbf: {  	[tilespmem:s2+$0xF0] =	vst v37;
	v37 =	vadd.f32 v45, v40;
	v40 =	vld [tilespmem:s2+$0x4E0]  }
0xc0: {  	[tilespmem:s2+$0x480] =	vst v36;
	v36 =	vadd.f32 v46, v41;
	v41 =	vld [tilespmem:s2+$0x4F0]  }
0xc1: {  	[tilespmem:s2+$0x490] =	vst v37;
	v37 =	vadd.f32 v47, v42;
	v42 =	vld [tilespmem:s2+$0x880]  }
0xc2: {  	[tilespmem:s2+$0x4A0] =	vst v36;
	v35 =	vadd.f32 v35, v38;
	v36 =	vld [tilespmem:s2+$0x890]  }
0xc3: {  	[tilespmem:s2+$0x4B0] =	vst v37;
	v34 =	vadd.f32 v34, v39;
	v37 =	vld [tilespmem:s2+$0x8A0]  }
0xc4: {  	[tilespmem:s2+$0x4C0] =	vst v35;
	v33 =	vadd.f32 v33, v40;
	v35 =	vld [tilespmem:s2+$0x8B0]  }
0xc5: {  	[tilespmem:s2+$0x4D0] =	vst v34;
	v32 =	vadd.f32 v32, v41;
	v34 =	vld [tilespmem:s2+$0x8C0]  }
0xc6: {  	[tilespmem:s2+$0x4E0] =	vst v33;
	v31 =	vadd.f32 v31, v42;
	v33 =	vld [tilespmem:s2+$0x8D0]  }
0xc7: {  	[tilespmem:s2+$0x4F0] =	vst v32;
	v30 =	vadd.f32 v30, v36;
	v32 =	vld [tilespmem:s2+$0x8E0]  }
0xc8: {  	[tilespmem:s2+$0x880] =	vst v31;
	v29 =	vadd.f32 v29, v37;
	v31 =	vld [tilespmem:s2+$0x8F0]  }
0xc9: {  	[tilespmem:s2+$0x890] =	vst v30;
	v28 =	vadd.f32 v28, v35;
	v30 =	vld [tilespmem:s2+$0xC80]  }
0xca: {  	[tilespmem:s2+$0x8A0] =	vst v29;
	v27 =	vadd.f32 v27, v34;
	v29 =	vld [tilespmem:s2+$0xC90]  }
0xcb: {  	[tilespmem:s2+$0x8B0] =	vst v28;
	v26 =	vadd.f32 v26, v33;
	v28 =	vld [tilespmem:s2+$0xCA0]  }
0xcc: {  	[tilespmem:s2+$0x8C0] =	vst v27;
	v25 =	vadd.f32 v25, v32;
	v27 =	vld [tilespmem:s2+$0xCB0]  }
0xcd: {  	[tilespmem:s2+$0x8D0] =	vst v26;
	v24 =	vadd.f32 v24, v31;
	v26 =	vld [tilespmem:s2+$0xCC0]  }
0xce: {  	[tilespmem:s2+$0x8E0] =	vst v25;
	v23 =	vadd.f32 v23, v30;
	v25 =	vld [tilespmem:s2+$0xCD0]  }
0xcf: {  	[tilespmem:s2+$0x8F0] =	vst v24;
	v22 =	vadd.f32 v22, v29;
	v24 =	vld [tilespmem:s2+$0xCE0]  }
0xd0: {  	[tilespmem:s2+$0xC80] =	vst v23;
	v21 =	vadd.f32 v21, v28;
	v23 =	vld [tilespmem:s2+$0xCF0]  }
0xd1: {  	[tilespmem:s2+$0xC90] =	vst v22;
	v20 =	vadd.f32 v20, v27;
	v22 =	vld [tilespmem:s2+$0x1080]  }
0xd2: {  	[tilespmem:s2+$0xCA0] =	vst v21;
	v19 =	vadd.f32 v19, v26;
	v21 =	vld [tilespmem:s2+$0x1090]  }
0xd3: {  	[tilespmem:s2+$0xCB0] =	vst v20;
	v18 =	vadd.f32 v18, v25;
	v20 =	vld [tilespmem:s2+$0x10A0]  }
0xd4: {  	[tilespmem:s2+$0xCC0] =	vst v19;
	v17 =	vadd.f32 v17, v24;
	v19 =	vld [tilespmem:s2+$0x10B0]  }
0xd5: {  	[tilespmem:s2+$0xCD0] =	vst v18;
	v16 =	vadd.f32 v16, v23;
	v18 =	vld [tilespmem:s2+$0x10C0]  }
0xd6: {  	[tilespmem:s2+$0xCE0] =	vst v17;
	v15 =	vadd.f32 v15, v22;
	v17 =	vld [tilespmem:s2+$0x10D0]  }
0xd7: {  	[tilespmem:s2+$0xCF0] =	vst v16;
	v14 =	vadd.f32 v14, v21;
	v16 =	vld [tilespmem:s2+$0x10E0]  }
0xd8: {  	[tilespmem:s2+$0x1080] =	vst v15;
	v13 =	vadd.f32 v13, v20;
	v15 =	vld [tilespmem:s2+$0x10F0]  }
0xd9: {  	[tilespmem:s2+$0x1090] =	vst v14;
	v12 =	vadd.f32 v12, v19;
	v14 =	vld [tilespmem:s2+$0x1480]  }
0xda: {  	[tilespmem:s2+$0x10A0] =	vst v13;
	v13 =	vadd.f32 v11, v18;
	v18 =	vld [tilespmem:s2+$0x1490]  }
.Ltmp0:
0xdb: {  	[tilespmem:s2+$0x10B0] =	vst v12;
	v12 =	vadd.f32 v10, v17;
	v11 =	vld [tilespmem:s2+$0x14A0];
	(pc) =	sbr.rel @p0 .LBB2_1-.Ltmp0, $4  }
0xdc: {  	[tilespmem:s2+$0x10C0] =	vst v13;
	v13 =	vadd.f32 v9, v16;
	v10 =	vld [tilespmem:s2+$0x14B0]  }
0xdd: {  	[tilespmem:s2+$0x10D0] =	vst v12;
	v15 =	vadd.f32 v8, v15;
	v9 =	vld [tilespmem:s2+$0x14C0]  }
0xde: {  	[tilespmem:s2+$0x10E0] =	vst v13;
	v12 =	vadd.f32 v7, v14;
	v8 =	vld [tilespmem:s2+$0x14D0]  }
0xdf: {  	s4 =	sadd.s32 $0x200, s4;
	[tilespmem:s2+$0x10F0] =	vst v15;
	v7 =	vadd.f32 v6, v18;
	v6 =	vld [tilespmem:s2+$0x14E0]  }
0xe0: {  	[tilespmem:s2+$0x1480] =	vst v12;
	v5 =	vadd.f32 v5, v11;
	v63 =	vld [tilespmem:s2+$0x14F0]  }
0xe1: {  	[tilespmem:s2+$0x1490] =	vst v7;
	v4 =	vadd.f32 v4, v10  }
0xe2: {  	[tilespmem:s2+$0x14A0] =	vst v5;
	v3 =	vadd.f32 v3, v9  }
0xe3: {  	[tilespmem:s2+$0x14B0] =	vst v4;
	v2 =	vadd.f32 v2, v8  }
0xe4: {  	[tilespmem:s2+$0x14C0] =	vst v3;
	v1 =	vadd.f32 v1, v6  }
0xe5: {  	s4 =	smul.u32 $0x300, s1;
	[tilespmem:s2+$0x14D0] =	vst v2;
	v0 =	vadd.f32 v0, v63  }
0xe6: {  	s29 =	simm.s32 $0x0;
	[tilespmem:s2+$0x14E0] =	vst v1  }
0xe7: {  	s30 =	simm.s32 $0x80;
	s31 =	simm.s32 $0x3;
	s28 =	sadd.s32 s3, s4;
	[tilespmem:s2+$0x14F0] =	vst v0  }
0xe8: {  	[hbm4b:s28+s29] =	stream.linear.scatter [tilespmem:s30], [sflag:$0x3], $0x1800, $0x38;
	[tilespmem:$0x3080] =	vst v63  }
0xe9: {  	_ =	swait.ge [sflag:s31], $0x1800  }
0xea: {  	[sflag:s31] =	ssyncset.done $0x0  }
0xeb: {  	[sflag:s31] =	ssyncadd.s32 $0xFFFFE800  }
0xec: {  	_ =	sfence.sel $0x180000  }
0xed: {  	[bflag:$0x0] =	sbarrier.arrive $0xFFFF  }
0xee: {  	p0 =	sne.s32 s1, $0x0;
	_ =	strace $0x90000047  }
0xef: {  	s0 =	sadd.s32 @!p0 $0x100000, s0;
	[bflag:$0x2] =	sbarrier.arrive $0xFFFF  }
0xf0: {  	[sflag:s0] =	ssyncadd.tile.s32 @!p0 $0x1;
	_ =	shalt  }
.Lfunc_end2:
_tile_overlayer_lowered:
.L_overlay_start_2:
0xf1: {  	(tag) =	ssettag $0x2  }
0xf2: {  	s0 =	rddreg [dreg:$0x0];
	s2 =	stileid.u32  }
0xf3: {  	s1 =	rddreg [dreg:$0x1];
	p0 =	sne.s32 s2, $0x0  }
0xf4: {  	s3 =	rddreg [dreg:$0x2];
	[bflag:$0x3] =	sbarrier.arrive $0xFFFF;
	s2 =	simm.s32 @!p0 $0x1C03  }
0xf5: {  	[timem:s3], [sflag:s2] =	dma.local @!p0 [hbm:s0], s1  }
0xf6: {  	s0 =	simm.s32 @!p0 $0x3  }
0xf7: {  	_ =	swait.ge @!p0 [sflag:s0], s1  }
0xf8: {  	s1 =	ssub.s32 @!p0 $0x0, s1;
	[sflag:s0] =	ssyncset.done @!p0 $0x0  }
0xf9: {  	[sflag:s0] =	ssyncadd.s32 @!p0 s1  }
0xfa: {  	[bflag:$0x3] =	sbarrier.arrive $0xFFFF  }
0xfb: {  	_ =	shalt  }

</sc_bundles>
